<compile_context>
chip_gen: v7x
topology: tpu7x:2x2x1
jax: 0.10.2.dev20260603
libtpu: 0.0.44.dev20260713+nightly
codegen_flags: <defaults>
</compile_context>

<pallas_src>
import functools

import jax
import jax.numpy as jnp
from jax import lax
from jax.experimental import pallas as pl
from jax.experimental.pallas import tpu as pltpu
from jax.experimental.pallas import tpu_sc as plsc

_LOG2 = 10
_VQ = 64
_EMB = 768
_NTOK = 8192
_LEVELS = (4, 6, 8, 10)
_BASES = {10: 0, 8: 1024, 6: 1280, 4: 1344}
_NCAT = 1360
_ZROW = 1360

_R = 512

_SC_NC = 2
_SC_NS = 16
_SC_NW = _SC_NC * _SC_NS

_pcall = pl.pallas_call


def _make_embed_body(level):
    n = 2 ** level

    def body(*refs):
        ws = refs[0:6]
        bs = refs[6:12]
        gs = refs[12:17]
        bes = refs[17:22]
        winv, binv = refs[22], refs[23]
        en_o, dec_o, loss_o = refs[24], refs[25], refs[26]

        row = lax.broadcasted_iota(jnp.int32, (n, _LOG2), 0)
        col = lax.broadcasted_iota(jnp.int32, (n, _LOG2), 1)
        bit = ((row >> (_LOG2 - 1 - col)) & 1).astype(jnp.float32)
        x = jnp.where(col < _LOG2 - level, -1.0, bit)

        for i in range(5):
            y = lax.dot_general(x, ws[i][...], (((1,), (1,)), ((), ()))) + bs[i][...]
            m = jnp.mean(y, axis=0, keepdims=True)
            v = jnp.mean((y - m) ** 2, axis=0, keepdims=True)
            y = (y - m) / jnp.sqrt(v + 1e-5) * gs[i][...] + bes[i][...]
            x = jnp.maximum(y, 0.0)
        emb = lax.dot_general(x, ws[5][...], (((1,), (1,)), ((), ()))) + bs[5][...]

        en = emb / (jnp.sqrt(jnp.sum(emb * emb, axis=1, keepdims=True)) + 1e-6)
        dec = lax.dot_general(en, winv[...], (((1,), (1,)), ((), ()))) + binv[...]

        gram = lax.dot_general(en, en, (((1,), (1,)), ((), ())))
        r2 = lax.broadcasted_iota(jnp.int32, (n, n), 0)
        c2 = lax.broadcasted_iota(jnp.int32, (n, n), 1)
        gram = jnp.where(r2 == c2, -1.0, gram)
        loss_o[...] = jnp.mean(jnp.max(gram, axis=1)).reshape(1, 1)
        en_o[...] = en
        dec_o[...] = dec

    return body


def _embed_tables(params):
    winv = params['proj_inv_W']
    binv = params['proj_inv_b'].reshape(1, _EMB)
    out = {}
    for lvl in _LEVELS:
        layers = params['mlps'][str(lvl)]
        ws, bs, gs, bes = [], [], [], []
        for layer in layers:
            if len(layer) == 4:
                w, b, g, be = layer
                gs.append(g.reshape(1, -1))
                bes.append(be.reshape(1, -1))
            else:
                w, b = layer
            ws.append(w)
            bs.append(b.reshape(1, -1))
        n = 2 ** lvl
        out[lvl] = _pcall(
            _make_embed_body(lvl),
            out_shape=[
                jax.ShapeDtypeStruct((n, _VQ), jnp.float32),
                jax.ShapeDtypeStruct((n, _EMB), jnp.float32),
                jax.ShapeDtypeStruct((1, 1), jnp.float32),
            ],
        )(*ws, *bs, *gs, *bes, winv, binv)
    return out


def _token_body(h_ref, pw_ref, pb_ref, ec_ref, g10_ref, g8_ref, g6_ref, g4_ref,
                p_ref, row_ref, code_ref):
    h = h_ref[...]
    hv = lax.dot_general(h, pw_ref[...], (((1,), (1,)), ((), ()))) + pb_ref[...]
    hn = hv / (jnp.sqrt(jnp.sum(hv * hv, axis=1, keepdims=True)) + 1e-6)
    hc = lax.dot_general(hn, ec_ref[...], (((1,), (1,)), ((), ())))
    x2 = 2.0 * hc
    p = p_ref[...]
    g_refs = {10: g10_ref, 8: g8_ref, 6: g6_ref, 4: g4_ref}

    codes = {}
    for lvl in _LEVELS:
        base, n = _BASES[lvl], 2 ** lvl
        xs = lax.slice(x2, (0, base), (_R, base + n))
        gn = g_refs[lvl][...]
        m = jnp.max(xs, axis=1, keepdims=True)
        e = jnp.exp(xs - m)
        s = jnp.sum(e, axis=1, keepdims=True)
        lg = jnp.log(e / s) + gn
        mm = jnp.max(lg, axis=1, keepdims=True)
        io = lax.broadcasted_iota(jnp.int32, (_R, n), 1)
        cand = jnp.where(lg == mm, io, n)
        codes[lvl] = jnp.min(cand, axis=1, keepdims=True)

    rowi = jnp.full((_R, 1), _ZROW, jnp.int32)
    for idx, lvl in enumerate(_LEVELS):
        sel = (idx / 4 < p) & (p < (idx + 1) / 4)
        rowi = jnp.where(sel, _BASES[lvl] + codes[lvl], rowi)
    row_ref[...] = rowi
    code_ref[...] = codes[10]


def _token_codes(h_in, proj_w, proj_b, ecat, gn, p):
    grid = _NTOK // _R
    g10, g8, g6, g4 = gn[3], gn[2], gn[1], gn[0]
    rowi, code = _pcall(
        _token_body,
        grid=(grid,),
        in_specs=[
            pl.BlockSpec((_R, _EMB), lambda i: (i, 0)),
            pl.BlockSpec((_VQ, _EMB), lambda i: (0, 0)),
            pl.BlockSpec((1, _VQ), lambda i: (0, 0)),
            pl.BlockSpec((_NCAT, _VQ), lambda i: (0, 0)),
            pl.BlockSpec((_R, 1024), lambda i: (i, 0)),
            pl.BlockSpec((_R, 256), lambda i: (i, 0)),
            pl.BlockSpec((_R, 64), lambda i: (i, 0)),
            pl.BlockSpec((_R, 16), lambda i: (i, 0)),
            pl.BlockSpec((_R, 1), lambda i: (i, 0)),
        ],
        out_specs=[
            pl.BlockSpec((_R, 1), lambda i: (i, 0)),
            pl.BlockSpec((_R, 1), lambda i: (i, 0)),
        ],
        out_shape=[
            jax.ShapeDtypeStruct((_NTOK, 1), jnp.int32),
            jax.ShapeDtypeStruct((_NTOK, 1), jnp.int32),
        ],
    )(h_in, proj_w, proj_b.reshape(1, _VQ), ecat, g10, g8, g6, g4,
      p.reshape(_NTOK, 1))
    return rowi.reshape(_NTOK), code.reshape(_NTOK)


_GB_PER_W = _NTOK // _SC_NW
_GC = 128


def _sc_gather_body(table_hbm, idx_hbm, out_hbm, idx_v, rows_v, sem):
    wid = lax.axis_index("s") * _SC_NC + lax.axis_index("c")
    base = wid * _GB_PER_W
    pltpu.sync_copy(idx_hbm.at[pl.ds(base, _GB_PER_W)], idx_v)
    for j in range(_GB_PER_W // _GC):
        pltpu.async_copy(
            table_hbm.at[idx_v.at[pl.ds(j * _GC, _GC)]], rows_v, sem
        ).wait()
        pltpu.sync_copy(rows_v, out_hbm.at[pl.ds(base + j * _GC, _GC)])


@functools.lru_cache(maxsize=1)
def _sc_gather_kernel():
    return pl.kernel(
        _sc_gather_body,
        out_type=jax.ShapeDtypeStruct((_NTOK, _EMB), jnp.float32),
        mesh=plsc.VectorSubcoreMesh(core_axis_name="c", subcore_axis_name="s"),
        scratch_types=[
            pltpu.VMEM((_GB_PER_W,), jnp.int32),
            pltpu.VMEM((_GC, _EMB), jnp.float32),
            pltpu.SemaphoreType.DMA,
        ],
    )


def _sc_gather(table, rowi):
    return _sc_gather_kernel()(table, rowi)


def kernel(h_in, params):
    tabs = _embed_tables(params)
    (en4, dec4, l4), (en6, dec6, l6) = tabs[4], tabs[6]
    (en8, dec8, l8), (en10, dec10, l10) = tabs[8], tabs[10]

    ecat = jnp.concatenate([en10, en8, en6, en4], axis=0)
    table = jnp.concatenate(
        [dec10, dec8, dec6, dec4, params['proj_inv_b'].reshape(1, _EMB)], axis=0)

    rkey = jax.random.key(42)
    kp, ks = jax.random.split(rkey)
    p = jax.random.uniform(kp, (_NTOK,), dtype=h_in.dtype)
    skeys = jax.random.split(ks, len(_LEVELS))
    gn = [jnp.zeros((_NTOK, 2 ** lvl), jnp.float32)
          for i, lvl in enumerate(_LEVELS)]

    rowi, code = _token_codes(h_in, params['proj_W'], params['proj_b'],
                              ecat, gn, p)
    quantized = _sc_gather(table, rowi)

    vq_loss = ((((0.0 + l4[0, 0]) + l6[0, 0]) + l8[0, 0]) + l10[0, 0]) / len(_LEVELS)
    return quantized, code, vq_loss

# --- scband reference (transcript-rebuilt; emitter-appended) ---
"""Pipeline reference for scband-hier-cvqlayer-28046136443281 (READ-ONLY COPY).

The authoritative reference and input builder live on the scoring server;
editing this copy changes nothing except your own understanding.
"""

import jax, jax.numpy as jnp
import numpy as np

LOG2 = 10
EMB_DIM = 768
VQ_DIM = 64
HIDDEN = 1024
COND = 6
LEVELS = [4, 6, 8, 10]
N_TOK = 8192


def _make_mlp(key):
    dims = [LOG2] + [HIDDEN] * (COND - 1) + [VQ_DIM]
    params = []
    ks = jax.random.split(key, COND)
    for i in range(COND):
        W = jax.random.normal(jax.random.fold_in(ks[i], 0), (dims[i + 1], dims[i]), dtype=jnp.float32) / np.sqrt(dims[i])
        b = jax.random.normal(jax.random.fold_in(ks[i], 1), (dims[i + 1],), dtype=jnp.float32) * 0.01
        if i < COND - 1:
            params.append((W, b, jnp.ones((dims[i + 1],), jnp.float32), jnp.zeros((dims[i + 1],), jnp.float32)))
        else:
            params.append((W, b))
    return params


def setup_inputs(seed: int = 0):
    key = jax.random.key(seed)
    kh, kp, kpi, km = jax.random.split(key, 4)
    h_in = jax.random.normal(kh, (N_TOK, EMB_DIM), dtype=jnp.float32)
    params = {
        'proj_W': jax.random.normal(kp, (VQ_DIM, EMB_DIM), dtype=jnp.float32) / np.sqrt(EMB_DIM),
        'proj_b': jnp.zeros((VQ_DIM,), jnp.float32),
        'proj_inv_W': jax.random.normal(kpi, (EMB_DIM, VQ_DIM), dtype=jnp.float32) / np.sqrt(VQ_DIM),
        'proj_inv_b': jnp.zeros((EMB_DIM,), jnp.float32),
        'mlps': {str(l): _make_mlp(jax.random.fold_in(km, l)) for l in LEVELS},
    }
    return {'h_in': h_in, 'params': params}


def _run_mlp(layers, x):
    # Linear + BatchNorm1d(train-mode batch stats) + ReLU blocks, final plain Linear
    for layer in layers:
        if len(layer) == 4:
            W, b, g, beta = layer
            y = x @ W.T + b
            m = y.mean(axis=0)
            v = y.var(axis=0)
            y = (y - m) / jnp.sqrt(v + 1e-5) * g + beta
            x = jax.nn.relu(y)
        else:
            W, b = layer
            x = x @ W.T + b
    return x


def _get_bvectors(level):
    ints = jnp.arange(2 ** level)
    bits = ((ints[:, None] >> jnp.arange(level - 1, -1, -1)[None, :]) & 1).astype(jnp.float32)
    pad = jnp.full((2 ** level, LOG2 - level), -1.0, dtype=jnp.float32)
    return jnp.concatenate([pad, bits], axis=1)


def _normalize(x):
    return x / (jnp.linalg.norm(x, axis=-1, keepdims=True) + 1e-6)


def _sample_code(h, level, temperature, params, key):
    bvec = _get_bvectors(level)
    embed = _run_mlp(params['mlps'][str(level)], bvec)
    h = _normalize(h)
    embed = _normalize(embed)
    alpha = 1.0 / temperature
    hc = h @ embed.T
    distances = -2.0 * (alpha - 1.0) * jax.lax.stop_gradient(hc) - 2.0 * hc
    A = jax.nn.softmax(-distances, axis=1)
    mat = embed @ embed.T
    n = mat.shape[0]
    mat = mat.at[jnp.arange(n), jnp.arange(n)].set(-1.0)
    vq_loss = mat.max(axis=-1).mean()
    code = jax.random.categorical(key, jnp.log(A), axis=-1)
    oh = jax.nn.one_hot(code, A.shape[-1], dtype=A.dtype)
    c = oh * (1.0 - A) + (1.0 - oh) * (-A)
    A2 = A + jax.lax.stop_gradient(c)
    h_vq = h + A2 @ embed - jax.lax.stop_gradient(h)
    return h_vq, code, vq_loss


def _forward(h_in, params):
    # forward(h_in) with defaults: attn_mask=None (all ones), mode='train', temperature=1, vqshortcut=False
    h = h_in @ params['proj_W'].T + params['proj_b']
    rkey = jax.random.key(42)
    kp, ks = jax.random.split(rkey)
    p = jax.random.uniform(kp, (h.shape[0],), dtype=h.dtype)
    L = len(LEVELS)
    skeys = jax.random.split(ks, L)
    quantized = jnp.zeros_like(h)
    vq_loss = 0.0
    code = None
    for idx, level in enumerate(LEVELS):
        q_, code, vl = _sample_code(h, level, 1.0, params, skeys[idx])
        select = ((idx / L < p) & (p < (idx + 1) / L)).astype(h.dtype)
        quantized = quantized + q_ * select[:, None]
        vq_loss = vq_loss + vl
    vq_loss = vq_loss / L
    quantized = quantized @ params['proj_inv_W'].T + params['proj_inv_b']
    return quantized, code, vq_loss


def reference(h_in, params):
    return _forward(h_in, params)

if __name__ == "__main__":
    import jax
    _d = setup_inputs()
    print(jax.jit(kernel)(*tuple(_d.values())))

</pallas_src>

<mosaic_0001>
#map = affine_map<(d0, d1) -> (0, 0)>
#map1 = affine_map<(d0, d1) -> (0)>
module attributes {stable_mosaic.version = 14 : i64} {
  func.func @_sc_gather_body(%arg0: i32, %arg1: i32, %arg2: memref<1361x768xf32, #tpu.memory_space<hbm>>, %arg3: memref<8192xi32, #tpu.memory_space<hbm>>, %arg4: memref<8192x768xf32, #tpu.memory_space<hbm>>, %arg5: memref<256xi32, #tpu.memory_space<vmem>>, %arg6: memref<128x768xf32, #tpu.memory_space<vmem>>, %arg7: memref<!tpu.dma_semaphore, #tpu.memory_space<semaphore_mem>>) attributes {dimension_semantics = [#tpu.dimension_semantics<core_parallel>, #tpu.dimension_semantics<subcore_parallel>], iteration_bounds = array<i64: 2, 16>, scalar_prefetch = 0 : i64, scratch_operands = 3 : i64, tpu.core_type = #tpu.core_type<sc_vector_subcore>, window_params = [{transform_indices = #map}, {transform_indices = #map1}, {transform_indices = #map}]} {
    %mul3A = arith.constant 2 : i32
    %mul3A_0 = arith.muli %arg1, %mul3A : i32
    %add3A = arith.addi %mul3A_0, %arg0 : i32
    %mul3A_1 = arith.constant 256 : i32
    %mul3A_2 = arith.muli %add3A, %mul3A_1 : i32
    "tpu.region"() ({
      %run_scoped3A = tpu.sem_alloc : memref<!tpu.dma_semaphore, #tpu.memory_space<semaphore_mem>>
      %dma_start3A_25 = tpu.memref_slice %arg3[%mul3A_2] : memref<8192xi32, #tpu.memory_space<hbm>> -> memref<256xi32, #tpu.memory_space<hbm>>
      %dma_start3A_26 = tpu.memref_slice %arg3[%mul3A_2] : memref<8192xi32, #tpu.memory_space<hbm>> -> memref<256xi32, #tpu.memory_space<hbm>>
      tpu.enqueue_dma source(%dma_start3A_26 : memref<256xi32, #tpu.memory_space<hbm>>) target(%arg5 : memref<256xi32, #tpu.memory_space<vmem>>) target_semaphore(%run_scoped3A : memref<!tpu.dma_semaphore, #tpu.memory_space<semaphore_mem>>)
      %dma_wait3A_27 = tpu.memref_slice %arg3[%mul3A_2] : memref<8192xi32, #tpu.memory_space<hbm>> -> memref<256xi32, #tpu.memory_space<hbm>>
      %dma_wait3A_28 = tpu.memref_slice %arg3[%mul3A_2] : memref<8192xi32, #tpu.memory_space<hbm>> -> memref<256xi32, #tpu.memory_space<hbm>>
      tpu.wait_dma2 semaphore(%run_scoped3A : memref<!tpu.dma_semaphore, #tpu.memory_space<semaphore_mem>>) src(%dma_wait3A_28 : memref<256xi32, #tpu.memory_space<hbm>>) dst(%arg5 : memref<256xi32, #tpu.memory_space<vmem>>)
      tpu.yield
    }) : () -> ()
    %dma_start3A = arith.constant 0 : i32
    %dma_start3A_3 = tpu.memref_slice %arg5[%dma_start3A] : memref<256xi32, #tpu.memory_space<vmem>> -> memref<128xi32, #tpu.memory_space<vmem>>
    %dma_start3A_4 = arith.constant 0 : i32
    %dma_start3A_5 = arith.constant 0 : i32
    %dma_start3A_6 = tpu.memref_slice %arg2[%dma_start3A_4, %dma_start3A_5] : memref<1361x768xf32, #tpu.memory_space<hbm>> -> memref<1361x768xf32, #tpu.memory_space<hbm>>
    tpu.enqueue_indirect_dma source(%dma_start3A_6 : memref<1361x768xf32, #tpu.memory_space<hbm>>) target(%arg6 : memref<128x768xf32, #tpu.memory_space<vmem>>) offsets(%dma_start3A_3 : memref<128xi32, #tpu.memory_space<vmem>>) semaphore(%arg7 : memref<!tpu.dma_semaphore, #tpu.memory_space<semaphore_mem>>)
    %dma_wait3A = arith.constant 0 : i32
    %dma_wait3A_7 = tpu.memref_slice %arg5[%dma_wait3A] : memref<256xi32, #tpu.memory_space<vmem>> -> memref<128xi32, #tpu.memory_space<vmem>>
    %dma_wait3A_8 = arith.constant 0 : i32
    %dma_wait3A_9 = arith.constant 0 : i32
    %dma_wait3A_10 = tpu.memref_slice %arg2[%dma_wait3A_8, %dma_wait3A_9] : memref<1361x768xf32, #tpu.memory_space<hbm>> -> memref<1361x768xf32, #tpu.memory_space<hbm>>
    tpu.wait_indirect_dma semaphore(%arg7 : memref<!tpu.dma_semaphore, #tpu.memory_space<semaphore_mem>>) src(%dma_wait3A_10 : memref<1361x768xf32, #tpu.memory_space<hbm>>) dst(%arg6 : memref<128x768xf32, #tpu.memory_space<vmem>>)
    %add3A_11 = arith.constant 0 : i32
    %add3A_12 = arith.addi %mul3A_2, %add3A_11 : i32
    "tpu.region"() ({
      %run_scoped3A = tpu.sem_alloc : memref<!tpu.dma_semaphore, #tpu.memory_space<semaphore_mem>>
      %dma_start3A_25 = arith.constant 0 : i32
      %dma_start3A_26 = tpu.memref_slice %arg4[%add3A_12, %dma_start3A_25] : memref<8192x768xf32, #tpu.memory_space<hbm>> -> memref<128x768xf32, #tpu.memory_space<hbm>>
      %dma_start3A_27 = arith.constant 0 : i32
      %dma_start3A_28 = tpu.memref_slice %arg4[%add3A_12, %dma_start3A_27] : memref<8192x768xf32, #tpu.memory_space<hbm>> -> memref<128x768xf32, #tpu.memory_space<hbm>>
      tpu.enqueue_dma source(%arg6 : memref<128x768xf32, #tpu.memory_space<vmem>>) target(%dma_start3A_28 : memref<128x768xf32, #tpu.memory_space<hbm>>) target_semaphore(%run_scoped3A : memref<!tpu.dma_semaphore, #tpu.memory_space<semaphore_mem>>)
      %dma_wait3A_29 = arith.constant 0 : i32
      %dma_wait3A_30 = tpu.memref_slice %arg4[%add3A_12, %dma_wait3A_29] : memref<8192x768xf32, #tpu.memory_space<hbm>> -> memref<128x768xf32, #tpu.memory_space<hbm>>
      %dma_wait3A_31 = arith.constant 0 : i32
      %dma_wait3A_32 = tpu.memref_slice %arg4[%add3A_12, %dma_wait3A_31] : memref<8192x768xf32, #tpu.memory_space<hbm>> -> memref<128x768xf32, #tpu.memory_space<hbm>>
      tpu.wait_dma2 semaphore(%run_scoped3A : memref<!tpu.dma_semaphore, #tpu.memory_space<semaphore_mem>>) src(%arg6 : memref<128x768xf32, #tpu.memory_space<vmem>>) dst(%dma_wait3A_32 : memref<128x768xf32, #tpu.memory_space<hbm>>)
      tpu.yield
    }) : () -> ()
    %dma_start3A_13 = arith.constant 128 : i32
    %dma_start3A_14 = tpu.memref_slice %arg5[%dma_start3A_13] : memref<256xi32, #tpu.memory_space<vmem>> -> memref<128xi32, #tpu.memory_space<vmem>>
    %dma_start3A_15 = arith.constant 0 : i32
    %dma_start3A_16 = arith.constant 0 : i32
    %dma_start3A_17 = tpu.memref_slice %arg2[%dma_start3A_15, %dma_start3A_16] : memref<1361x768xf32, #tpu.memory_space<hbm>> -> memref<1361x768xf32, #tpu.memory_space<hbm>>
    tpu.enqueue_indirect_dma source(%dma_start3A_17 : memref<1361x768xf32, #tpu.memory_space<hbm>>) target(%arg6 : memref<128x768xf32, #tpu.memory_space<vmem>>) offsets(%dma_start3A_14 : memref<128xi32, #tpu.memory_space<vmem>>) semaphore(%arg7 : memref<!tpu.dma_semaphore, #tpu.memory_space<semaphore_mem>>)
    %dma_wait3A_18 = arith.constant 128 : i32
    %dma_wait3A_19 = tpu.memref_slice %arg5[%dma_wait3A_18] : memref<256xi32, #tpu.memory_space<vmem>> -> memref<128xi32, #tpu.memory_space<vmem>>
    %dma_wait3A_20 = arith.constant 0 : i32
    %dma_wait3A_21 = arith.constant 0 : i32
    %dma_wait3A_22 = tpu.memref_slice %arg2[%dma_wait3A_20, %dma_wait3A_21] : memref<1361x768xf32, #tpu.memory_space<hbm>> -> memref<1361x768xf32, #tpu.memory_space<hbm>>
    tpu.wait_indirect_dma semaphore(%arg7 : memref<!tpu.dma_semaphore, #tpu.memory_space<semaphore_mem>>) src(%dma_wait3A_22 : memref<1361x768xf32, #tpu.memory_space<hbm>>) dst(%arg6 : memref<128x768xf32, #tpu.memory_space<vmem>>)
    %add3A_23 = arith.constant 128 : i32
    %add3A_24 = arith.addi %mul3A_2, %add3A_23 : i32
    "tpu.region"() ({
      %run_scoped3A = tpu.sem_alloc : memref<!tpu.dma_semaphore, #tpu.memory_space<semaphore_mem>>
      %dma_start3A_25 = arith.constant 0 : i32
      %dma_start3A_26 = tpu.memref_slice %arg4[%add3A_24, %dma_start3A_25] : memref<8192x768xf32, #tpu.memory_space<hbm>> -> memref<128x768xf32, #tpu.memory_space<hbm>>
      %dma_start3A_27 = arith.constant 0 : i32
      %dma_start3A_28 = tpu.memref_slice %arg4[%add3A_24, %dma_start3A_27] : memref<8192x768xf32, #tpu.memory_space<hbm>> -> memref<128x768xf32, #tpu.memory_space<hbm>>
      tpu.enqueue_dma source(%arg6 : memref<128x768xf32, #tpu.memory_space<vmem>>) target(%dma_start3A_28 : memref<128x768xf32, #tpu.memory_space<hbm>>) target_semaphore(%run_scoped3A : memref<!tpu.dma_semaphore, #tpu.memory_space<semaphore_mem>>)
      %dma_wait3A_29 = arith.constant 0 : i32
      %dma_wait3A_30 = tpu.memref_slice %arg4[%add3A_24, %dma_wait3A_29] : memref<8192x768xf32, #tpu.memory_space<hbm>> -> memref<128x768xf32, #tpu.memory_space<hbm>>
      %dma_wait3A_31 = arith.constant 0 : i32
      %dma_wait3A_32 = tpu.memref_slice %arg4[%add3A_24, %dma_wait3A_31] : memref<8192x768xf32, #tpu.memory_space<hbm>> -> memref<128x768xf32, #tpu.memory_space<hbm>>
      tpu.wait_dma2 semaphore(%run_scoped3A : memref<!tpu.dma_semaphore, #tpu.memory_space<semaphore_mem>>) src(%arg6 : memref<128x768xf32, #tpu.memory_space<vmem>>) dst(%dma_wait3A_32 : memref<128x768xf32, #tpu.memory_space<hbm>>)
      tpu.yield
    }) : () -> ()
    return
  }
}

module attributes {stable_mosaic.version = 14 : i64} {
  func.func @body(%arg0: memref<1024x10xf32, #tpu.memory_space<vmem>>, %arg1: memref<1024x1024xf32, #tpu.memory_space<vmem>>, %arg2: memref<1024x1024xf32, #tpu.memory_space<vmem>>, %arg3: memref<1024x1024xf32, #tpu.memory_space<vmem>>, %arg4: memref<1024x1024xf32, #tpu.memory_space<vmem>>, %arg5: memref<64x1024xf32, #tpu.memory_space<vmem>>, %arg6: memref<1x1024xf32, #tpu.memory_space<vmem>>, %arg7: memref<1x1024xf32, #tpu.memory_space<vmem>>, %arg8: memref<1x1024xf32, #tpu.memory_space<vmem>>, %arg9: memref<1x1024xf32, #tpu.memory_space<vmem>>, %arg10: memref<1x1024xf32, #tpu.memory_space<vmem>>, %arg11: memref<1x64xf32, #tpu.memory_space<vmem>>, %arg12: memref<1x1024xf32, #tpu.memory_space<vmem>>, %arg13: memref<1x1024xf32, #tpu.memory_space<vmem>>, %arg14: memref<1x1024xf32, #tpu.memory_space<vmem>>, %arg15: memref<1x1024xf32, #tpu.memory_space<vmem>>, %arg16: memref<1x1024xf32, #tpu.memory_space<vmem>>, %arg17: memref<1x1024xf32, #tpu.memory_space<vmem>>, %arg18: memref<1x1024xf32, #tpu.memory_space<vmem>>, %arg19: memref<1x1024xf32, #tpu.memory_space<vmem>>, %arg20: memref<1x1024xf32, #tpu.memory_space<vmem>>, %arg21: memref<1x1024xf32, #tpu.memory_space<vmem>>, %arg22: memref<768x64xf32, #tpu.memory_space<vmem>>, %arg23: memref<1x768xf32, #tpu.memory_space<vmem>>, %arg24: memref<1024x64xf32, #tpu.memory_space<vmem>>, %arg25: memref<1024x768xf32, #tpu.memory_space<vmem>>, %arg26: memref<1x1xf32, #tpu.memory_space<vmem>>) attributes {dimension_semantics = [], scalar_prefetch = 0 : i64, scratch_operands = 0 : i64, tpu.core_type = #tpu.core_type<tc>} {
    %iota3A = tpu.iota {dimensions = array<i32: 0>} : vector<1024x10xi32>
    %iota3A_0 = tpu.iota {dimensions = array<i32: 1>} : vector<1024x10xi32>
    %sub3A = arith.constant 9 : i32
    %sub3A_1 = vector.broadcast %sub3A : i32 to vector<1024x10xi32>
    %sub3A_2 = arith.subi %sub3A_1, %iota3A_0 : vector<1024x10xi32>
    %shift_right_arithmetic3A = arith.shrsi %iota3A, %sub3A_2 : vector<1024x10xi32>
    %and3A = arith.constant 1 : i32
    %and3A_3 = vector.broadcast %and3A : i32 to vector<1024x10xi32>
    %and3A_4 = arith.andi %shift_right_arithmetic3A, %and3A_3 : vector<1024x10xi32>
    %convert_element_type3A = arith.sitofp %and3A_4 : vector<1024x10xi32> to vector<1024x10xf32>
    %lt3A = arith.constant 0 : i32
    %lt3A_5 = vector.broadcast %lt3A : i32 to vector<1024x10xi32>
    %lt3A_6 = arith.cmpi slt, %iota3A_0, %lt3A_5 : vector<1024x10xi32>
    %jit3A = arith.constant -1.000000e+00 : f32
    %broadcast_in_dim3A = vector.broadcast %jit3A : f32 to vector<1024x10xf32>
    %select_n3A = arith.select %lt3A_6, %broadcast_in_dim3A, %convert_element_type3A : vector<1024x10xi1>, vector<1024x10xf32>
    %get3A = arith.constant 0 : index
    %get3A_7 = arith.constant 0 : index
    %get3A_8 = vector.load %arg0[%get3A, %get3A_7] : memref<1024x10xf32, #tpu.memory_space<vmem>>, vector<1024x10xf32>
    %dot_general3A = arith.constant dense<0.000000e+00> : vector<1024x1024xf32>
    %dot_general3A_9 = tpu.matmul %select_n3A, %get3A_8, %dot_general3A {dimension_numbers = #tpu.dot_dimension_numbers<[1], [1], [0], [0], [0, 0, 1, 0], [], []>, transpose_lhs_hint = false} : vector<1024x10xf32>, vector<1024x10xf32>, vector<1024x1024xf32> -> vector<1024x1024xf32>
    %get3A_10 = arith.constant 0 : index
    %get3A_11 = arith.constant 0 : index
    %get3A_12 = vector.load %arg6[%get3A_10, %get3A_11] : memref<1x1024xf32, #tpu.memory_space<vmem>>, vector<1x1024xf32>
    %add3A = vector.broadcast %get3A_12 : vector<1x1024xf32> to vector<1024x1024xf32>
    %add3A_13 = arith.addf %dot_general3A_9, %add3A : vector<1024x1024xf32>
    %reduce_sum3A = arith.constant dense<0.000000e+00> : vector<1024xf32>
    %reduce_sum3A_14 = vector.multi_reduction <add>, %add3A_13, %reduce_sum3A [0] : vector<1024x1024xf32> to vector<1024xf32>
    %broadcast_in_dim3A_15 = vector.shape_cast %reduce_sum3A_14 : vector<1024xf32> to vector<1x1024xf32>
    %div3A = arith.constant 1.024000e+03 : f32
    %div3A_16 = vector.broadcast %div3A : f32 to vector<1x1024xf32>
    %div3A_17 = arith.divf %broadcast_in_dim3A_15, %div3A_16 : vector<1x1024xf32>
    %sub3A_18 = vector.broadcast %div3A_17 : vector<1x1024xf32> to vector<1024x1024xf32>
    %sub3A_19 = arith.subf %add3A_13, %sub3A_18 : vector<1024x1024xf32>
    %integer_pow3A = arith.mulf %sub3A_19, %sub3A_19 : vector<1024x1024xf32>
    %reduce_sum3A_20 = arith.constant dense<0.000000e+00> : vector<1024xf32>
    %reduce_sum3A_21 = vector.multi_reduction <add>, %integer_pow3A, %reduce_sum3A_20 [0] : vector<1024x1024xf32> to vector<1024xf32>
    %broadcast_in_dim3A_22 = vector.shape_cast %reduce_sum3A_21 : vector<1024xf32> to vector<1x1024xf32>
    %div3A_23 = arith.constant 1.024000e+03 : f32
    %div3A_24 = vector.broadcast %div3A_23 : f32 to vector<1x1024xf32>
    %div3A_25 = arith.divf %broadcast_in_dim3A_22, %div3A_24 : vector<1x1024xf32>
    %sub3A_26 = vector.broadcast %div3A_17 : vector<1x1024xf32> to vector<1024x1024xf32>
    %sub3A_27 = arith.subf %add3A_13, %sub3A_26 : vector<1024x1024xf32>
    %add3A_28 = arith.constant 9.99999974E-6 : f32
    %add3A_29 = vector.broadcast %add3A_28 : f32 to vector<1x1024xf32>
    %add3A_30 = arith.addf %div3A_25, %add3A_29 : vector<1x1024xf32>
    %sqrt3A = math.sqrt %add3A_30 : vector<1x1024xf32>
    %div3A_31 = vector.broadcast %sqrt3A : vector<1x1024xf32> to vector<1024x1024xf32>
    %div3A_32 = arith.divf %sub3A_27, %div3A_31 : vector<1024x1024xf32>
    %get3A_33 = arith.constant 0 : index
    %get3A_34 = arith.constant 0 : index
    %get3A_35 = vector.load %arg12[%get3A_33, %get3A_34] : memref<1x1024xf32, #tpu.memory_space<vmem>>, vector<1x1024xf32>
    %mul3A = vector.broadcast %get3A_35 : vector<1x1024xf32> to vector<1024x1024xf32>
    %mul3A_36 = arith.mulf %div3A_32, %mul3A : vector<1024x1024xf32>
    %get3A_37 = arith.constant 0 : index
    %get3A_38 = arith.constant 0 : index
    %get3A_39 = vector.load %arg17[%get3A_37, %get3A_38] : memref<1x1024xf32, #tpu.memory_space<vmem>>, vector<1x1024xf32>
    %add3A_40 = vector.broadcast %get3A_39 : vector<1x1024xf32> to vector<1024x1024xf32>
    %add3A_41 = arith.addf %mul3A_36, %add3A_40 : vector<1024x1024xf32>
    %max3A = arith.constant 0.000000e+00 : f32
    %max3A_42 = vector.broadcast %max3A : f32 to vector<1024x1024xf32>
    %max3A_43 = arith.maximumf %add3A_41, %max3A_42 : vector<1024x1024xf32>
    %get3A_44 = arith.constant 0 : index
    %get3A_45 = arith.constant 0 : index
    %get3A_46 = vector.load %arg1[%get3A_44, %get3A_45] : memref<1024x1024xf32, #tpu.memory_space<vmem>>, vector<1024x1024xf32>
    %dot_general3A_47 = arith.constant dense<0.000000e+00> : vector<1024x1024xf32>
    %dot_general3A_48 = tpu.matmul %max3A_43, %get3A_46, %dot_general3A_47 {dimension_numbers = #tpu.dot_dimension_numbers<[1], [1], [0], [0], [0, 0, 1, 0], [], []>, transpose_lhs_hint = false} : vector<1024x1024xf32>, vector<1024x1024xf32>, vector<1024x1024xf32> -> vector<1024x1024xf32>
    %get3A_49 = arith.constant 0 : index
    %get3A_50 = arith.constant 0 : index
    %get3A_51 = vector.load %arg7[%get3A_49, %get3A_50] : memref<1x1024xf32, #tpu.memory_space<vmem>>, vector<1x1024xf32>
    %add3A_52 = vector.broadcast %get3A_51 : vector<1x1024xf32> to vector<1024x1024xf32>
    %add3A_53 = arith.addf %dot_general3A_48, %add3A_52 : vector<1024x1024xf32>
    %reduce_sum3A_54 = arith.constant dense<0.000000e+00> : vector<1024xf32>
    %reduce_sum3A_55 = vector.multi_reduction <add>, %add3A_53, %reduce_sum3A_54 [0] : vector<1024x1024xf32> to vector<1024xf32>
    %broadcast_in_dim3A_56 = vector.shape_cast %reduce_sum3A_55 : vector<1024xf32> to vector<1x1024xf32>
    %div3A_57 = arith.constant 1.024000e+03 : f32
    %div3A_58 = vector.broadcast %div3A_57 : f32 to vector<1x1024xf32>
    %div3A_59 = arith.divf %broadcast_in_dim3A_56, %div3A_58 : vector<1x1024xf32>
    %sub3A_60 = vector.broadcast %div3A_59 : vector<1x1024xf32> to vector<1024x1024xf32>
    %sub3A_61 = arith.subf %add3A_53, %sub3A_60 : vector<1024x1024xf32>
    %integer_pow3A_62 = arith.mulf %sub3A_61, %sub3A_61 : vector<1024x1024xf32>
    %reduce_sum3A_63 = arith.constant dense<0.000000e+00> : vector<1024xf32>
    %reduce_sum3A_64 = vector.multi_reduction <add>, %integer_pow3A_62, %reduce_sum3A_63 [0] : vector<1024x1024xf32> to vector<1024xf32>
    %broadcast_in_dim3A_65 = vector.shape_cast %reduce_sum3A_64 : vector<1024xf32> to vector<1x1024xf32>
    %div3A_66 = arith.constant 1.024000e+03 : f32
    %div3A_67 = vector.broadcast %div3A_66 : f32 to vector<1x1024xf32>
    %div3A_68 = arith.divf %broadcast_in_dim3A_65, %div3A_67 : vector<1x1024xf32>
    %sub3A_69 = vector.broadcast %div3A_59 : vector<1x1024xf32> to vector<1024x1024xf32>
    %sub3A_70 = arith.subf %add3A_53, %sub3A_69 : vector<1024x1024xf32>
    %add3A_71 = arith.constant 9.99999974E-6 : f32
    %add3A_72 = vector.broadcast %add3A_71 : f32 to vector<1x1024xf32>
    %add3A_73 = arith.addf %div3A_68, %add3A_72 : vector<1x1024xf32>
    %sqrt3A_74 = math.sqrt %add3A_73 : vector<1x1024xf32>
    %div3A_75 = vector.broadcast %sqrt3A_74 : vector<1x1024xf32> to vector<1024x1024xf32>
    %div3A_76 = arith.divf %sub3A_70, %div3A_75 : vector<1024x1024xf32>
    %get3A_77 = arith.constant 0 : index
    %get3A_78 = arith.constant 0 : index
    %get3A_79 = vector.load %arg13[%get3A_77, %get3A_78] : memref<1x1024xf32, #tpu.memory_space<vmem>>, vector<1x1024xf32>
    %mul3A_80 = vector.broadcast %get3A_79 : vector<1x1024xf32> to vector<1024x1024xf32>
    %mul3A_81 = arith.mulf %div3A_76, %mul3A_80 : vector<1024x1024xf32>
    %get3A_82 = arith.constant 0 : index
    %get3A_83 = arith.constant 0 : index
    %get3A_84 = vector.load %arg18[%get3A_82, %get3A_83] : memref<1x1024xf32, #tpu.memory_space<vmem>>, vector<1x1024xf32>
    %add3A_85 = vector.broadcast %get3A_84 : vector<1x1024xf32> to vector<1024x1024xf32>
    %add3A_86 = arith.addf %mul3A_81, %add3A_85 : vector<1024x1024xf32>
    %max3A_87 = arith.constant 0.000000e+00 : f32
    %max3A_88 = vector.broadcast %max3A_87 : f32 to vector<1024x1024xf32>
    %max3A_89 = arith.maximumf %add3A_86, %max3A_88 : vector<1024x1024xf32>
    %get3A_90 = arith.constant 0 : index
    %get3A_91 = arith.constant 0 : index
    %get3A_92 = vector.load %arg2[%get3A_90, %get3A_91] : memref<1024x1024xf32, #tpu.memory_space<vmem>>, vector<1024x1024xf32>
    %dot_general3A_93 = arith.constant dense<0.000000e+00> : vector<1024x1024xf32>
    %dot_general3A_94 = tpu.matmul %max3A_89, %get3A_92, %dot_general3A_93 {dimension_numbers = #tpu.dot_dimension_numbers<[1], [1], [0], [0], [0, 0, 1, 0], [], []>, transpose_lhs_hint = false} : vector<1024x1024xf32>, vector<1024x1024xf32>, vector<1024x1024xf32> -> vector<1024x1024xf32>
    %get3A_95 = arith.constant 0 : index
    %get3A_96 = arith.constant 0 : index
    %get3A_97 = vector.load %arg8[%get3A_95, %get3A_96] : memref<1x1024xf32, #tpu.memory_space<vmem>>, vector<1x1024xf32>
    %add3A_98 = vector.broadcast %get3A_97 : vector<1x1024xf32> to vector<1024x1024xf32>
    %add3A_99 = arith.addf %dot_general3A_94, %add3A_98 : vector<1024x1024xf32>
    %reduce_sum3A_100 = arith.constant dense<0.000000e+00> : vector<1024xf32>
    %reduce_sum3A_101 = vector.multi_reduction <add>, %add3A_99, %reduce_sum3A_100 [0] : vector<1024x1024xf32> to vector<1024xf32>
    %broadcast_in_dim3A_102 = vector.shape_cast %reduce_sum3A_101 : vector<1024xf32> to vector<1x1024xf32>
    %div3A_103 = arith.constant 1.024000e+03 : f32
    %div3A_104 = vector.broadcast %div3A_103 : f32 to vector<1x1024xf32>
    %div3A_105 = arith.divf %broadcast_in_dim3A_102, %div3A_104 : vector<1x1024xf32>
    %sub3A_106 = vector.broadcast %div3A_105 : vector<1x1024xf32> to vector<1024x1024xf32>
    %sub3A_107 = arith.subf %add3A_99, %sub3A_106 : vector<1024x1024xf32>
    %integer_pow3A_108 = arith.mulf %sub3A_107, %sub3A_107 : vector<1024x1024xf32>
    %reduce_sum3A_109 = arith.constant dense<0.000000e+00> : vector<1024xf32>
    %reduce_sum3A_110 = vector.multi_reduction <add>, %integer_pow3A_108, %reduce_sum3A_109 [0] : vector<1024x1024xf32> to vector<1024xf32>
    %broadcast_in_dim3A_111 = vector.shape_cast %reduce_sum3A_110 : vector<1024xf32> to vector<1x1024xf32>
    %div3A_112 = arith.constant 1.024000e+03 : f32
    %div3A_113 = vector.broadcast %div3A_112 : f32 to vector<1x1024xf32>
    %div3A_114 = arith.divf %broadcast_in_dim3A_111, %div3A_113 : vector<1x1024xf32>
    %sub3A_115 = vector.broadcast %div3A_105 : vector<1x1024xf32> to vector<1024x1024xf32>
    %sub3A_116 = arith.subf %add3A_99, %sub3A_115 : vector<1024x1024xf32>
    %add3A_117 = arith.constant 9.99999974E-6 : f32
    %add3A_118 = vector.broadcast %add3A_117 : f32 to vector<1x1024xf32>
    %add3A_119 = arith.addf %div3A_114, %add3A_118 : vector<1x1024xf32>
    %sqrt3A_120 = math.sqrt %add3A_119 : vector<1x1024xf32>
    %div3A_121 = vector.broadcast %sqrt3A_120 : vector<1x1024xf32> to vector<1024x1024xf32>
    %div3A_122 = arith.divf %sub3A_116, %div3A_121 : vector<1024x1024xf32>
    %get3A_123 = arith.constant 0 : index
    %get3A_124 = arith.constant 0 : index
    %get3A_125 = vector.load %arg14[%get3A_123, %get3A_124] : memref<1x1024xf32, #tpu.memory_space<vmem>>, vector<1x1024xf32>
    %mul3A_126 = vector.broadcast %get3A_125 : vector<1x1024xf32> to vector<1024x1024xf32>
    %mul3A_127 = arith.mulf %div3A_122, %mul3A_126 : vector<1024x1024xf32>
    %get3A_128 = arith.constant 0 : index
    %get3A_129 = arith.constant 0 : index
    %get3A_130 = vector.load %arg19[%get3A_128, %get3A_129] : memref<1x1024xf32, #tpu.memory_space<vmem>>, vector<1x1024xf32>
    %add3A_131 = vector.broadcast %get3A_130 : vector<1x1024xf32> to vector<1024x1024xf32>
    %add3A_132 = arith.addf %mul3A_127, %add3A_131 : vector<1024x1024xf32>
    %max3A_133 = arith.constant 0.000000e+00 : f32
    %max3A_134 = vector.broadcast %max3A_133 : f32 to vector<1024x1024xf32>
    %max3A_135 = arith.maximumf %add3A_132, %max3A_134 : vector<1024x1024xf32>
    %get3A_136 = arith.constant 0 : index
    %get3A_137 = arith.constant 0 : index
    %get3A_138 = vector.load %arg3[%get3A_136, %get3A_137] : memref<1024x1024xf32, #tpu.memory_space<vmem>>, vector<1024x1024xf32>
    %dot_general3A_139 = arith.constant dense<0.000000e+00> : vector<1024x1024xf32>
    %dot_general3A_140 = tpu.matmul %max3A_135, %get3A_138, %dot_general3A_139 {dimension_numbers = #tpu.dot_dimension_numbers<[1], [1], [0], [0], [0, 0, 1, 0], [], []>, transpose_lhs_hint = false} : vector<1024x1024xf32>, vector<1024x1024xf32>, vector<1024x1024xf32> -> vector<1024x1024xf32>
    %get3A_141 = arith.constant 0 : index
    %get3A_142 = arith.constant 0 : index
    %get3A_143 = vector.load %arg9[%get3A_141, %get3A_142] : memref<1x1024xf32, #tpu.memory_space<vmem>>, vector<1x1024xf32>
    %add3A_144 = vector.broadcast %get3A_143 : vector<1x1024xf32> to vector<1024x1024xf32>
    %add3A_145 = arith.addf %dot_general3A_140, %add3A_144 : vector<1024x1024xf32>
    %reduce_sum3A_146 = arith.constant dense<0.000000e+00> : vector<1024xf32>
    %reduce_sum3A_147 = vector.multi_reduction <add>, %add3A_145, %reduce_sum3A_146 [0] : vector<1024x1024xf32> to vector<1024xf32>
    %broadcast_in_dim3A_148 = vector.shape_cast %reduce_sum3A_147 : vector<1024xf32> to vector<1x1024xf32>
    %div3A_149 = arith.constant 1.024000e+03 : f32
    %div3A_150 = vector.broadcast %div3A_149 : f32 to vector<1x1024xf32>
    %div3A_151 = arith.divf %broadcast_in_dim3A_148, %div3A_150 : vector<1x1024xf32>
    %sub3A_152 = vector.broadcast %div3A_151 : vector<1x1024xf32> to vector<1024x1024xf32>
    %sub3A_153 = arith.subf %add3A_145, %sub3A_152 : vector<1024x1024xf32>
    %integer_pow3A_154 = arith.mulf %sub3A_153, %sub3A_153 : vector<1024x1024xf32>
    %reduce_sum3A_155 = arith.constant dense<0.000000e+00> : vector<1024xf32>
    %reduce_sum3A_156 = vector.multi_reduction <add>, %integer_pow3A_154, %reduce_sum3A_155 [0] : vector<1024x1024xf32> to vector<1024xf32>
    %broadcast_in_dim3A_157 = vector.shape_cast %reduce_sum3A_156 : vector<1024xf32> to vector<1x1024xf32>
    %div3A_158 = arith.constant 1.024000e+03 : f32
    %div3A_159 = vector.broadcast %div3A_158 : f32 to vector<1x1024xf32>
    %div3A_160 = arith.divf %broadcast_in_dim3A_157, %div3A_159 : vector<1x1024xf32>
    %sub3A_161 = vector.broadcast %div3A_151 : vector<1x1024xf32> to vector<1024x1024xf32>
    %sub3A_162 = arith.subf %add3A_145, %sub3A_161 : vector<1024x1024xf32>
    %add3A_163 = arith.constant 9.99999974E-6 : f32
    %add3A_164 = vector.broadcast %add3A_163 : f32 to vector<1x1024xf32>
    %add3A_165 = arith.addf %div3A_160, %add3A_164 : vector<1x1024xf32>
    %sqrt3A_166 = math.sqrt %add3A_165 : vector<1x1024xf32>
    %div3A_167 = vector.broadcast %sqrt3A_166 : vector<1x1024xf32> to vector<1024x1024xf32>
    %div3A_168 = arith.divf %sub3A_162, %div3A_167 : vector<1024x1024xf32>
    %get3A_169 = arith.constant 0 : index
    %get3A_170 = arith.constant 0 : index
    %get3A_171 = vector.load %arg15[%get3A_169, %get3A_170] : memref<1x1024xf32, #tpu.memory_space<vmem>>, vector<1x1024xf32>
    %mul3A_172 = vector.broadcast %get3A_171 : vector<1x1024xf32> to vector<1024x1024xf32>
    %mul3A_173 = arith.mulf %div3A_168, %mul3A_172 : vector<1024x1024xf32>
    %get3A_174 = arith.constant 0 : index
    %get3A_175 = arith.constant 0 : index
    %get3A_176 = vector.load %arg20[%get3A_174, %get3A_175] : memref<1x1024xf32, #tpu.memory_space<vmem>>, vector<1x1024xf32>
    %add3A_177 = vector.broadcast %get3A_176 : vector<1x1024xf32> to vector<1024x1024xf32>
    %add3A_178 = arith.addf %mul3A_173, %add3A_177 : vector<1024x1024xf32>
    %max3A_179 = arith.constant 0.000000e+00 : f32
    %max3A_180 = vector.broadcast %max3A_179 : f32 to vector<1024x1024xf32>
    %max3A_181 = arith.maximumf %add3A_178, %max3A_180 : vector<1024x1024xf32>
    %get3A_182 = arith.constant 0 : index
    %get3A_183 = arith.constant 0 : index
    %get3A_184 = vector.load %arg4[%get3A_182, %get3A_183] : memref<1024x1024xf32, #tpu.memory_space<vmem>>, vector<1024x1024xf32>
    %dot_general3A_185 = arith.constant dense<0.000000e+00> : vector<1024x1024xf32>
    %dot_general3A_186 = tpu.matmul %max3A_181, %get3A_184, %dot_general3A_185 {dimension_numbers = #tpu.dot_dimension_numbers<[1], [1], [0], [0], [0, 0, 1, 0], [], []>, transpose_lhs_hint = false} : vector<1024x1024xf32>, vector<1024x1024xf32>, vector<1024x1024xf32> -> vector<1024x1024xf32>
    %get3A_187 = arith.constant 0 : index
    %get3A_188 = arith.constant 0 : index
    %get3A_189 = vector.load %arg10[%get3A_187, %get3A_188] : memref<1x1024xf32, #tpu.memory_space<vmem>>, vector<1x1024xf32>
    %add3A_190 = vector.broadcast %get3A_189 : vector<1x1024xf32> to vector<1024x1024xf32>
    %add3A_191 = arith.addf %dot_general3A_186, %add3A_190 : vector<1024x1024xf32>
    %reduce_sum3A_192 = arith.constant dense<0.000000e+00> : vector<1024xf32>
    %reduce_sum3A_193 = vector.multi_reduction <add>, %add3A_191, %reduce_sum3A_192 [0] : vector<1024x1024xf32> to vector<1024xf32>
    %broadcast_in_dim3A_194 = vector.shape_cast %reduce_sum3A_193 : vector<1024xf32> to vector<1x1024xf32>
    %div3A_195 = arith.constant 1.024000e+03 : f32
    %div3A_196 = vector.broadcast %div3A_195 : f32 to vector<1x1024xf32>
    %div3A_197 = arith.divf %broadcast_in_dim3A_194, %div3A_196 : vector<1x1024xf32>
    %sub3A_198 = vector.broadcast %div3A_197 : vector<1x1024xf32> to vector<1024x1024xf32>
    %sub3A_199 = arith.subf %add3A_191, %sub3A_198 : vector<1024x1024xf32>
    %integer_pow3A_200 = arith.mulf %sub3A_199, %sub3A_199 : vector<1024x1024xf32>
    %reduce_sum3A_201 = arith.constant dense<0.000000e+00> : vector<1024xf32>
    %reduce_sum3A_202 = vector.multi_reduction <add>, %integer_pow3A_200, %reduce_sum3A_201 [0] : vector<1024x1024xf32> to vector<1024xf32>
    %broadcast_in_dim3A_203 = vector.shape_cast %reduce_sum3A_202 : vector<1024xf32> to vector<1x1024xf32>
    %div3A_204 = arith.constant 1.024000e+03 : f32
    %div3A_205 = vector.broadcast %div3A_204 : f32 to vector<1x1024xf32>
    %div3A_206 = arith.divf %broadcast_in_dim3A_203, %div3A_205 : vector<1x1024xf32>
    %sub3A_207 = vector.broadcast %div3A_197 : vector<1x1024xf32> to vector<1024x1024xf32>
    %sub3A_208 = arith.subf %add3A_191, %sub3A_207 : vector<1024x1024xf32>
    %add3A_209 = arith.constant 9.99999974E-6 : f32
    %add3A_210 = vector.broadcast %add3A_209 : f32 to vector<1x1024xf32>
    %add3A_211 = arith.addf %div3A_206, %add3A_210 : vector<1x1024xf32>
    %sqrt3A_212 = math.sqrt %add3A_211 : vector<1x1024xf32>
    %div3A_213 = vector.broadcast %sqrt3A_212 : vector<1x1024xf32> to vector<1024x1024xf32>
    %div3A_214 = arith.divf %sub3A_208, %div3A_213 : vector<1024x1024xf32>
    %get3A_215 = arith.constant 0 : index
    %get3A_216 = arith.constant 0 : index
    %get3A_217 = vector.load %arg16[%get3A_215, %get3A_216] : memref<1x1024xf32, #tpu.memory_space<vmem>>, vector<1x1024xf32>
    %mul3A_218 = vector.broadcast %get3A_217 : vector<1x1024xf32> to vector<1024x1024xf32>
    %mul3A_219 = arith.mulf %div3A_214, %mul3A_218 : vector<1024x1024xf32>
    %get3A_220 = arith.constant 0 : index
    %get3A_221 = arith.constant 0 : index
    %get3A_222 = vector.load %arg21[%get3A_220, %get3A_221] : memref<1x1024xf32, #tpu.memory_space<vmem>>, vector<1x1024xf32>
    %add3A_223 = vector.broadcast %get3A_222 : vector<1x1024xf32> to vector<1024x1024xf32>
    %add3A_224 = arith.addf %mul3A_219, %add3A_223 : vector<1024x1024xf32>
    %max3A_225 = arith.constant 0.000000e+00 : f32
    %max3A_226 = vector.broadcast %max3A_225 : f32 to vector<1024x1024xf32>
    %max3A_227 = arith.maximumf %add3A_224, %max3A_226 : vector<1024x1024xf32>
    %get3A_228 = arith.constant 0 : index
    %get3A_229 = arith.constant 0 : index
    %get3A_230 = vector.load %arg5[%get3A_228, %get3A_229] : memref<64x1024xf32, #tpu.memory_space<vmem>>, vector<64x1024xf32>
    %dot_general3A_231 = arith.constant dense<0.000000e+00> : vector<1024x64xf32>
    %dot_general3A_232 = tpu.matmul %max3A_227, %get3A_230, %dot_general3A_231 {dimension_numbers = #tpu.dot_dimension_numbers<[1], [1], [0], [0], [0, 0, 1, 0], [], []>, transpose_lhs_hint = false} : vector<1024x1024xf32>, vector<64x1024xf32>, vector<1024x64xf32> -> vector<1024x64xf32>
    %get3A_233 = arith.constant 0 : index
    %get3A_234 = arith.constant 0 : index
    %get3A_235 = vector.load %arg11[%get3A_233, %get3A_234] : memref<1x64xf32, #tpu.memory_space<vmem>>, vector<1x64xf32>
    %add3A_236 = vector.broadcast %get3A_235 : vector<1x64xf32> to vector<1024x64xf32>
    %add3A_237 = arith.addf %dot_general3A_232, %add3A_236 : vector<1024x64xf32>
    %mul3A_238 = arith.mulf %add3A_237, %add3A_237 : vector<1024x64xf32>
    %reduce_sum3A_239 = arith.constant dense<0.000000e+00> : vector<1024xf32>
    %reduce_sum3A_240 = vector.multi_reduction <add>, %mul3A_238, %reduce_sum3A_239 [1] : vector<1024x64xf32> to vector<1024xf32>
    %broadcast_in_dim3A_241 = vector.shape_cast %reduce_sum3A_240 : vector<1024xf32> to vector<1024x1xf32>
    %sqrt3A_242 = math.sqrt %broadcast_in_dim3A_241 : vector<1024x1xf32>
    %add3A_243 = arith.constant 9.99999997E-7 : f32
    %add3A_244 = vector.broadcast %add3A_243 : f32 to vector<1024x1xf32>
    %add3A_245 = arith.addf %sqrt3A_242, %add3A_244 : vector<1024x1xf32>
    %div3A_246 = vector.broadcast %add3A_245 : vector<1024x1xf32> to vector<1024x64xf32>
    %div3A_247 = arith.divf %add3A_237, %div3A_246 : vector<1024x64xf32>
    %get3A_248 = arith.constant 0 : index
    %get3A_249 = arith.constant 0 : index
    %get3A_250 = vector.load %arg22[%get3A_248, %get3A_249] : memref<768x64xf32, #tpu.memory_space<vmem>>, vector<768x64xf32>
    %dot_general3A_251 = arith.constant dense<0.000000e+00> : vector<1024x768xf32>
    %dot_general3A_252 = tpu.matmul %div3A_247, %get3A_250, %dot_general3A_251 {dimension_numbers = #tpu.dot_dimension_numbers<[1], [1], [0], [0], [0, 0, 1, 0], [], []>, transpose_lhs_hint = false} : vector<1024x64xf32>, vector<768x64xf32>, vector<1024x768xf32> -> vector<1024x768xf32>
    %get3A_253 = arith.constant 0 : index
    %get3A_254 = arith.constant 0 : index
    %get3A_255 = vector.load %arg23[%get3A_253, %get3A_254] : memref<1x768xf32, #tpu.memory_space<vmem>>, vector<1x768xf32>
    %add3A_256 = vector.broadcast %get3A_255 : vector<1x768xf32> to vector<1024x768xf32>
    %add3A_257 = arith.addf %dot_general3A_252, %add3A_256 : vector<1024x768xf32>
    %dot_general3A_258 = arith.constant dense<0.000000e+00> : vector<1024x1024xf32>
    %dot_general3A_259 = tpu.matmul %div3A_247, %div3A_247, %dot_general3A_258 {dimension_numbers = #tpu.dot_dimension_numbers<[1], [1], [0], [0], [0, 0, 1, 0], [], []>, transpose_lhs_hint = false} : vector<1024x64xf32>, vector<1024x64xf32>, vector<1024x1024xf32> -> vector<1024x1024xf32>
    %iota3A_260 = tpu.iota {dimensions = array<i32: 0>} : vector<1024x1024xi32>
    %iota3A_261 = tpu.iota {dimensions = array<i32: 1>} : vector<1024x1024xi32>
    %eq3A = arith.cmpi eq, %iota3A_260, %iota3A_261 : vector<1024x1024xi32>
    %jit3A_262 = arith.constant -1.000000e+00 : f32
    %broadcast_in_dim3A_263 = vector.broadcast %jit3A_262 : f32 to vector<1024x1024xf32>
    %select_n3A_264 = arith.select %eq3A, %broadcast_in_dim3A_263, %dot_general3A_259 : vector<1024x1024xi1>, vector<1024x1024xf32>
    %reduce_max3A = arith.constant dense<0xFF800000> : vector<1024xf32>
    %reduce_max3A_265 = vector.multi_reduction <maximumf>, %select_n3A_264, %reduce_max3A [1] : vector<1024x1024xf32> to vector<1024xf32>
    %reduce_sum3A_266 = vector.shape_cast %reduce_max3A_265 : vector<1024xf32> to vector<1x1024xf32>
    %reduce_sum3A_267 = arith.constant dense<0.000000e+00> : vector<1xf32>
    %reduce_sum3A_268 = vector.multi_reduction <add>, %reduce_sum3A_266, %reduce_sum3A_267 [1] : vector<1x1024xf32> to vector<1xf32>
    %reduce_sum3A_269 = vector.shape_cast %reduce_sum3A_268 : vector<1xf32> to vector<1x1xf32>
    %reduce_sum3A_270 = vector.extract %reduce_sum3A_269[0, 0] : f32 from vector<1x1xf32>
    %div3A_271 = arith.constant 1.024000e+03 : f32
    %div3A_272 = arith.divf %reduce_sum3A_270, %div3A_271 : f32
    %reshape3A = vector.broadcast %div3A_272 : f32 to vector<1x1xf32>
    %swap3A = arith.constant 0 : index
    %swap3A_273 = arith.constant 0 : index
    %swap3A_274 = vector.load %arg26[%swap3A, %swap3A_273] : memref<1x1xf32, #tpu.memory_space<vmem>>, vector<1x1xf32>
    tpu.vector_store %arg26[%swap3A, %swap3A_273], %reshape3A {strides = array<i32>} : memref<1x1xf32, #tpu.memory_space<vmem>>, vector<1x1xf32>,
    %swap3A_275 = arith.constant 0 : index
    %swap3A_276 = arith.constant 0 : index
    %swap3A_277 = vector.load %arg24[%swap3A_275, %swap3A_276] : memref<1024x64xf32, #tpu.memory_space<vmem>>, vector<1024x64xf32>
    tpu.vector_store %arg24[%swap3A_275, %swap3A_276], %div3A_247 {strides = array<i32>} : memref<1024x64xf32, #tpu.memory_space<vmem>>, vector<1024x64xf32>,
    %swap3A_278 = arith.constant 0 : index
    %swap3A_279 = arith.constant 0 : index
    %swap3A_280 = vector.load %arg25[%swap3A_278, %swap3A_279] : memref<1024x768xf32, #tpu.memory_space<vmem>>, vector<1024x768xf32>
    tpu.vector_store %arg25[%swap3A_278, %swap3A_279], %add3A_257 {strides = array<i32>} : memref<1024x768xf32, #tpu.memory_space<vmem>>, vector<1024x768xf32>,
    return
  }
}

module attributes {stable_mosaic.version = 14 : i64} {
  func.func @body(%arg0: memref<1024x10xf32, #tpu.memory_space<vmem>>, %arg1: memref<1024x1024xf32, #tpu.memory_space<vmem>>, %arg2: memref<1024x1024xf32, #tpu.memory_space<vmem>>, %arg3: memref<1024x1024xf32, #tpu.memory_space<vmem>>, %arg4: memref<1024x1024xf32, #tpu.memory_space<vmem>>, %arg5: memref<64x1024xf32, #tpu.memory_space<vmem>>, %arg6: memref<1x1024xf32, #tpu.memory_space<vmem>>, %arg7: memref<1x1024xf32, #tpu.memory_space<vmem>>, %arg8: memref<1x1024xf32, #tpu.memory_space<vmem>>, %arg9: memref<1x1024xf32, #tpu.memory_space<vmem>>, %arg10: memref<1x1024xf32, #tpu.memory_space<vmem>>, %arg11: memref<1x64xf32, #tpu.memory_space<vmem>>, %arg12: memref<1x1024xf32, #tpu.memory_space<vmem>>, %arg13: memref<1x1024xf32, #tpu.memory_space<vmem>>, %arg14: memref<1x1024xf32, #tpu.memory_space<vmem>>, %arg15: memref<1x1024xf32, #tpu.memory_space<vmem>>, %arg16: memref<1x1024xf32, #tpu.memory_space<vmem>>, %arg17: memref<1x1024xf32, #tpu.memory_space<vmem>>, %arg18: memref<1x1024xf32, #tpu.memory_space<vmem>>, %arg19: memref<1x1024xf32, #tpu.memory_space<vmem>>, %arg20: memref<1x1024xf32, #tpu.memory_space<vmem>>, %arg21: memref<1x1024xf32, #tpu.memory_space<vmem>>, %arg22: memref<768x64xf32, #tpu.memory_space<vmem>>, %arg23: memref<1x768xf32, #tpu.memory_space<vmem>>, %arg24: memref<256x64xf32, #tpu.memory_space<vmem>>, %arg25: memref<256x768xf32, #tpu.memory_space<vmem>>, %arg26: memref<1x1xf32, #tpu.memory_space<vmem>>) attributes {dimension_semantics = [], scalar_prefetch = 0 : i64, scratch_operands = 0 : i64, tpu.core_type = #tpu.core_type<tc>} {
    %iota3A = tpu.iota {dimensions = array<i32: 0>} : vector<256x10xi32>
    %iota3A_0 = tpu.iota {dimensions = array<i32: 1>} : vector<256x10xi32>
    %sub3A = arith.constant 9 : i32
    %sub3A_1 = vector.broadcast %sub3A : i32 to vector<256x10xi32>
    %sub3A_2 = arith.subi %sub3A_1, %iota3A_0 : vector<256x10xi32>
    %shift_right_arithmetic3A = arith.shrsi %iota3A, %sub3A_2 : vector<256x10xi32>
    %and3A = arith.constant 1 : i32
    %and3A_3 = vector.broadcast %and3A : i32 to vector<256x10xi32>
    %and3A_4 = arith.andi %shift_right_arithmetic3A, %and3A_3 : vector<256x10xi32>
    %convert_element_type3A = arith.sitofp %and3A_4 : vector<256x10xi32> to vector<256x10xf32>
    %lt3A = arith.constant 2 : i32
    %lt3A_5 = vector.broadcast %lt3A : i32 to vector<256x10xi32>
    %lt3A_6 = arith.cmpi slt, %iota3A_0, %lt3A_5 : vector<256x10xi32>
    %jit3A = arith.constant -1.000000e+00 : f32
    %broadcast_in_dim3A = vector.broadcast %jit3A : f32 to vector<256x10xf32>
    %select_n3A = arith.select %lt3A_6, %broadcast_in_dim3A, %convert_element_type3A : vector<256x10xi1>, vector<256x10xf32>
    %get3A = arith.constant 0 : index
    %get3A_7 = arith.constant 0 : index
    %get3A_8 = vector.load %arg0[%get3A, %get3A_7] : memref<1024x10xf32, #tpu.memory_space<vmem>>, vector<1024x10xf32>
    %dot_general3A = arith.constant dense<0.000000e+00> : vector<256x1024xf32>
    %dot_general3A_9 = tpu.matmul %select_n3A, %get3A_8, %dot_general3A {dimension_numbers = #tpu.dot_dimension_numbers<[1], [1], [0], [0], [0, 0, 1, 0], [], []>, transpose_lhs_hint = false} : vector<256x10xf32>, vector<1024x10xf32>, vector<256x1024xf32> -> vector<256x1024xf32>
    %get3A_10 = arith.constant 0 : index
    %get3A_11 = arith.constant 0 : index
    %get3A_12 = vector.load %arg6[%get3A_10, %get3A_11] : memref<1x1024xf32, #tpu.memory_space<vmem>>, vector<1x1024xf32>
    %add3A = vector.broadcast %get3A_12 : vector<1x1024xf32> to vector<256x1024xf32>
    %add3A_13 = arith.addf %dot_general3A_9, %add3A : vector<256x1024xf32>
    %reduce_sum3A = arith.constant dense<0.000000e+00> : vector<1024xf32>
    %reduce_sum3A_14 = vector.multi_reduction <add>, %add3A_13, %reduce_sum3A [0] : vector<256x1024xf32> to vector<1024xf32>
    %broadcast_in_dim3A_15 = vector.shape_cast %reduce_sum3A_14 : vector<1024xf32> to vector<1x1024xf32>
    %div3A = arith.constant 2.560000e+02 : f32
    %div3A_16 = vector.broadcast %div3A : f32 to vector<1x1024xf32>
    %div3A_17 = arith.divf %broadcast_in_dim3A_15, %div3A_16 : vector<1x1024xf32>
    %sub3A_18 = vector.broadcast %div3A_17 : vector<1x1024xf32> to vector<256x1024xf32>
    %sub3A_19 = arith.subf %add3A_13, %sub3A_18 : vector<256x1024xf32>
    %integer_pow3A = arith.mulf %sub3A_19, %sub3A_19 : vector<256x1024xf32>
    %reduce_sum3A_20 = arith.constant dense<0.000000e+00> : vector<1024xf32>
    %reduce_sum3A_21 = vector.multi_reduction <add>, %integer_pow3A, %reduce_sum3A_20 [0] : vector<256x1024xf32> to vector<1024xf32>
    %broadcast_in_dim3A_22 = vector.shape_cast %reduce_sum3A_21 : vector<1024xf32> to vector<1x1024xf32>
    %div3A_23 = arith.constant 2.560000e+02 : f32
    %div3A_24 = vector.broadcast %div3A_23 : f32 to vector<1x1024xf32>
    %div3A_25 = arith.divf %broadcast_in_dim3A_22, %div3A_24 : vector<1x1024xf32>
    %sub3A_26 = vector.broadcast %div3A_17 : vector<1x1024xf32> to vector<256x1024xf32>
    %sub3A_27 = arith.subf %add3A_13, %sub3A_26 : vector<256x1024xf32>
    %add3A_28 = arith.constant 9.99999974E-6 : f32
    %add3A_29 = vector.broadcast %add3A_28 : f32 to vector<1x1024xf32>
    %add3A_30 = arith.addf %div3A_25, %add3A_29 : vector<1x1024xf32>
    %sqrt3A = math.sqrt %add3A_30 : vector<1x1024xf32>
    %div3A_31 = vector.broadcast %sqrt3A : vector<1x1024xf32> to vector<256x1024xf32>
    %div3A_32 = arith.divf %sub3A_27, %div3A_31 : vector<256x1024xf32>
    %get3A_33 = arith.constant 0 : index
    %get3A_34 = arith.constant 0 : index
    %get3A_35 = vector.load %arg12[%get3A_33, %get3A_34] : memref<1x1024xf32, #tpu.memory_space<vmem>>, vector<1x1024xf32>
    %mul3A = vector.broadcast %get3A_35 : vector<1x1024xf32> to vector<256x1024xf32>
    %mul3A_36 = arith.mulf %div3A_32, %mul3A : vector<256x1024xf32>
    %get3A_37 = arith.constant 0 : index
    %get3A_38 = arith.constant 0 : index
    %get3A_39 = vector.load %arg17[%get3A_37, %get3A_38] : memref<1x1024xf32, #tpu.memory_space<vmem>>, vector<1x1024xf32>
    %add3A_40 = vector.broadcast %get3A_39 : vector<1x1024xf32> to vector<256x1024xf32>
    %add3A_41 = arith.addf %mul3A_36, %add3A_40 : vector<256x1024xf32>
    %max3A = arith.constant 0.000000e+00 : f32
    %max3A_42 = vector.broadcast %max3A : f32 to vector<256x1024xf32>
    %max3A_43 = arith.maximumf %add3A_41, %max3A_42 : vector<256x1024xf32>
    %get3A_44 = arith.constant 0 : index
    %get3A_45 = arith.constant 0 : index
    %get3A_46 = vector.load %arg1[%get3A_44, %get3A_45] : memref<1024x1024xf32, #tpu.memory_space<vmem>>, vector<1024x1024xf32>
    %dot_general3A_47 = arith.constant dense<0.000000e+00> : vector<256x1024xf32>
    %dot_general3A_48 = tpu.matmul %max3A_43, %get3A_46, %dot_general3A_47 {dimension_numbers = #tpu.dot_dimension_numbers<[1], [1], [0], [0], [0, 0, 1, 0], [], []>, transpose_lhs_hint = false} : vector<256x1024xf32>, vector<1024x1024xf32>, vector<256x1024xf32> -> vector<256x1024xf32>
    %get3A_49 = arith.constant 0 : index
    %get3A_50 = arith.constant 0 : index
    %get3A_51 = vector.load %arg7[%get3A_49, %get3A_50] : memref<1x1024xf32, #tpu.memory_space<vmem>>, vector<1x1024xf32>
    %add3A_52 = vector.broadcast %get3A_51 : vector<1x1024xf32> to vector<256x1024xf32>
    %add3A_53 = arith.addf %dot_general3A_48, %add3A_52 : vector<256x1024xf32>
    %reduce_sum3A_54 = arith.constant dense<0.000000e+00> : vector<1024xf32>
    %reduce_sum3A_55 = vector.multi_reduction <add>, %add3A_53, %reduce_sum3A_54 [0] : vector<256x1024xf32> to vector<1024xf32>
    %broadcast_in_dim3A_56 = vector.shape_cast %reduce_sum3A_55 : vector<1024xf32> to vector<1x1024xf32>
    %div3A_57 = arith.constant 2.560000e+02 : f32
    %div3A_58 = vector.broadcast %div3A_57 : f32 to vector<1x1024xf32>
    %div3A_59 = arith.divf %broadcast_in_dim3A_56, %div3A_58 : vector<1x1024xf32>
    %sub3A_60 = vector.broadcast %div3A_59 : vector<1x1024xf32> to vector<256x1024xf32>
    %sub3A_61 = arith.subf %add3A_53, %sub3A_60 : vector<256x1024xf32>
    %integer_pow3A_62 = arith.mulf %sub3A_61, %sub3A_61 : vector<256x1024xf32>
    %reduce_sum3A_63 = arith.constant dense<0.000000e+00> : vector<1024xf32>
    %reduce_sum3A_64 = vector.multi_reduction <add>, %integer_pow3A_62, %reduce_sum3A_63 [0] : vector<256x1024xf32> to vector<1024xf32>
    %broadcast_in_dim3A_65 = vector.shape_cast %reduce_sum3A_64 : vector<1024xf32> to vector<1x1024xf32>
    %div3A_66 = arith.constant 2.560000e+02 : f32
    %div3A_67 = vector.broadcast %div3A_66 : f32 to vector<1x1024xf32>
    %div3A_68 = arith.divf %broadcast_in_dim3A_65, %div3A_67 : vector<1x1024xf32>
    %sub3A_69 = vector.broadcast %div3A_59 : vector<1x1024xf32> to vector<256x1024xf32>
    %sub3A_70 = arith.subf %add3A_53, %sub3A_69 : vector<256x1024xf32>
    %add3A_71 = arith.constant 9.99999974E-6 : f32
    %add3A_72 = vector.broadcast %add3A_71 : f32 to vector<1x1024xf32>
    %add3A_73 = arith.addf %div3A_68, %add3A_72 : vector<1x1024xf32>
    %sqrt3A_74 = math.sqrt %add3A_73 : vector<1x1024xf32>
    %div3A_75 = vector.broadcast %sqrt3A_74 : vector<1x1024xf32> to vector<256x1024xf32>
    %div3A_76 = arith.divf %sub3A_70, %div3A_75 : vector<256x1024xf32>
    %get3A_77 = arith.constant 0 : index
    %get3A_78 = arith.constant 0 : index
    %get3A_79 = vector.load %arg13[%get3A_77, %get3A_78] : memref<1x1024xf32, #tpu.memory_space<vmem>>, vector<1x1024xf32>
    %mul3A_80 = vector.broadcast %get3A_79 : vector<1x1024xf32> to vector<256x1024xf32>
    %mul3A_81 = arith.mulf %div3A_76, %mul3A_80 : vector<256x1024xf32>
    %get3A_82 = arith.constant 0 : index
    %get3A_83 = arith.constant 0 : index
    %get3A_84 = vector.load %arg18[%get3A_82, %get3A_83] : memref<1x1024xf32, #tpu.memory_space<vmem>>, vector<1x1024xf32>
    %add3A_85 = vector.broadcast %get3A_84 : vector<1x1024xf32> to vector<256x1024xf32>
    %add3A_86 = arith.addf %mul3A_81, %add3A_85 : vector<256x1024xf32>
    %max3A_87 = arith.constant 0.000000e+00 : f32
    %max3A_88 = vector.broadcast %max3A_87 : f32 to vector<256x1024xf32>
    %max3A_89 = arith.maximumf %add3A_86, %max3A_88 : vector<256x1024xf32>
    %get3A_90 = arith.constant 0 : index
    %get3A_91 = arith.constant 0 : index
    %get3A_92 = vector.load %arg2[%get3A_90, %get3A_91] : memref<1024x1024xf32, #tpu.memory_space<vmem>>, vector<1024x1024xf32>
    %dot_general3A_93 = arith.constant dense<0.000000e+00> : vector<256x1024xf32>
    %dot_general3A_94 = tpu.matmul %max3A_89, %get3A_92, %dot_general3A_93 {dimension_numbers = #tpu.dot_dimension_numbers<[1], [1], [0], [0], [0, 0, 1, 0], [], []>, transpose_lhs_hint = false} : vector<256x1024xf32>, vector<1024x1024xf32>, vector<256x1024xf32> -> vector<256x1024xf32>
    %get3A_95 = arith.constant 0 : index
    %get3A_96 = arith.constant 0 : index
    %get3A_97 = vector.load %arg8[%get3A_95, %get3A_96] : memref<1x1024xf32, #tpu.memory_space<vmem>>, vector<1x1024xf32>
    %add3A_98 = vector.broadcast %get3A_97 : vector<1x1024xf32> to vector<256x1024xf32>
    %add3A_99 = arith.addf %dot_general3A_94, %add3A_98 : vector<256x1024xf32>
    %reduce_sum3A_100 = arith.constant dense<0.000000e+00> : vector<1024xf32>
    %reduce_sum3A_101 = vector.multi_reduction <add>, %add3A_99, %reduce_sum3A_100 [0] : vector<256x1024xf32> to vector<1024xf32>
    %broadcast_in_dim3A_102 = vector.shape_cast %reduce_sum3A_101 : vector<1024xf32> to vector<1x1024xf32>
    %div3A_103 = arith.constant 2.560000e+02 : f32
    %div3A_104 = vector.broadcast %div3A_103 : f32 to vector<1x1024xf32>
    %div3A_105 = arith.divf %broadcast_in_dim3A_102, %div3A_104 : vector<1x1024xf32>
    %sub3A_106 = vector.broadcast %div3A_105 : vector<1x1024xf32> to vector<256x1024xf32>
    %sub3A_107 = arith.subf %add3A_99, %sub3A_106 : vector<256x1024xf32>
    %integer_pow3A_108 = arith.mulf %sub3A_107, %sub3A_107 : vector<256x1024xf32>
    %reduce_sum3A_109 = arith.constant dense<0.000000e+00> : vector<1024xf32>
    %reduce_sum3A_110 = vector.multi_reduction <add>, %integer_pow3A_108, %reduce_sum3A_109 [0] : vector<256x1024xf32> to vector<1024xf32>
    %broadcast_in_dim3A_111 = vector.shape_cast %reduce_sum3A_110 : vector<1024xf32> to vector<1x1024xf32>
    %div3A_112 = arith.constant 2.560000e+02 : f32
    %div3A_113 = vector.broadcast %div3A_112 : f32 to vector<1x1024xf32>
    %div3A_114 = arith.divf %broadcast_in_dim3A_111, %div3A_113 : vector<1x1024xf32>
    %sub3A_115 = vector.broadcast %div3A_105 : vector<1x1024xf32> to vector<256x1024xf32>
    %sub3A_116 = arith.subf %add3A_99, %sub3A_115 : vector<256x1024xf32>
    %add3A_117 = arith.constant 9.99999974E-6 : f32
    %add3A_118 = vector.broadcast %add3A_117 : f32 to vector<1x1024xf32>
    %add3A_119 = arith.addf %div3A_114, %add3A_118 : vector<1x1024xf32>
    %sqrt3A_120 = math.sqrt %add3A_119 : vector<1x1024xf32>
    %div3A_121 = vector.broadcast %sqrt3A_120 : vector<1x1024xf32> to vector<256x1024xf32>
    %div3A_122 = arith.divf %sub3A_116, %div3A_121 : vector<256x1024xf32>
    %get3A_123 = arith.constant 0 : index
    %get3A_124 = arith.constant 0 : index
    %get3A_125 = vector.load %arg14[%get3A_123, %get3A_124] : memref<1x1024xf32, #tpu.memory_space<vmem>>, vector<1x1024xf32>
    %mul3A_126 = vector.broadcast %get3A_125 : vector<1x1024xf32> to vector<256x1024xf32>
    %mul3A_127 = arith.mulf %div3A_122, %mul3A_126 : vector<256x1024xf32>
    %get3A_128 = arith.constant 0 : index
    %get3A_129 = arith.constant 0 : index
    %get3A_130 = vector.load %arg19[%get3A_128, %get3A_129] : memref<1x1024xf32, #tpu.memory_space<vmem>>, vector<1x1024xf32>
    %add3A_131 = vector.broadcast %get3A_130 : vector<1x1024xf32> to vector<256x1024xf32>
    %add3A_132 = arith.addf %mul3A_127, %add3A_131 : vector<256x1024xf32>
    %max3A_133 = arith.constant 0.000000e+00 : f32
    %max3A_134 = vector.broadcast %max3A_133 : f32 to vector<256x1024xf32>
    %max3A_135 = arith.maximumf %add3A_132, %max3A_134 : vector<256x1024xf32>
    %get3A_136 = arith.constant 0 : index
    %get3A_137 = arith.constant 0 : index
    %get3A_138 = vector.load %arg3[%get3A_136, %get3A_137] : memref<1024x1024xf32, #tpu.memory_space<vmem>>, vector<1024x1024xf32>
    %dot_general3A_139 = arith.constant dense<0.000000e+00> : vector<256x1024xf32>
    %dot_general3A_140 = tpu.matmul %max3A_135, %get3A_138, %dot_general3A_139 {dimension_numbers = #tpu.dot_dimension_numbers<[1], [1], [0], [0], [0, 0, 1, 0], [], []>, transpose_lhs_hint = false} : vector<256x1024xf32>, vector<1024x1024xf32>, vector<256x1024xf32> -> vector<256x1024xf32>
    %get3A_141 = arith.constant 0 : index
    %get3A_142 = arith.constant 0 : index
    %get3A_143 = vector.load %arg9[%get3A_141, %get3A_142] : memref<1x1024xf32, #tpu.memory_space<vmem>>, vector<1x1024xf32>
    %add3A_144 = vector.broadcast %get3A_143 : vector<1x1024xf32> to vector<256x1024xf32>
    %add3A_145 = arith.addf %dot_general3A_140, %add3A_144 : vector<256x1024xf32>
    %reduce_sum3A_146 = arith.constant dense<0.000000e+00> : vector<1024xf32>
    %reduce_sum3A_147 = vector.multi_reduction <add>, %add3A_145, %reduce_sum3A_146 [0] : vector<256x1024xf32> to vector<1024xf32>
    %broadcast_in_dim3A_148 = vector.shape_cast %reduce_sum3A_147 : vector<1024xf32> to vector<1x1024xf32>
    %div3A_149 = arith.constant 2.560000e+02 : f32
    %div3A_150 = vector.broadcast %div3A_149 : f32 to vector<1x1024xf32>
    %div3A_151 = arith.divf %broadcast_in_dim3A_148, %div3A_150 : vector<1x1024xf32>
    %sub3A_152 = vector.broadcast %div3A_151 : vector<1x1024xf32> to vector<256x1024xf32>
    %sub3A_153 = arith.subf %add3A_145, %sub3A_152 : vector<256x1024xf32>
    %integer_pow3A_154 = arith.mulf %sub3A_153, %sub3A_153 : vector<256x1024xf32>
    %reduce_sum3A_155 = arith.constant dense<0.000000e+00> : vector<1024xf32>
    %reduce_sum3A_156 = vector.multi_reduction <add>, %integer_pow3A_154, %reduce_sum3A_155 [0] : vector<256x1024xf32> to vector<1024xf32>
    %broadcast_in_dim3A_157 = vector.shape_cast %reduce_sum3A_156 : vector<1024xf32> to vector<1x1024xf32>
    %div3A_158 = arith.constant 2.560000e+02 : f32
    %div3A_159 = vector.broadcast %div3A_158 : f32 to vector<1x1024xf32>
    %div3A_160 = arith.divf %broadcast_in_dim3A_157, %div3A_159 : vector<1x1024xf32>
    %sub3A_161 = vector.broadcast %div3A_151 : vector<1x1024xf32> to vector<256x1024xf32>
    %sub3A_162 = arith.subf %add3A_145, %sub3A_161 : vector<256x1024xf32>
    %add3A_163 = arith.constant 9.99999974E-6 : f32
    %add3A_164 = vector.broadcast %add3A_163 : f32 to vector<1x1024xf32>
    %add3A_165 = arith.addf %div3A_160, %add3A_164 : vector<1x1024xf32>
    %sqrt3A_166 = math.sqrt %add3A_165 : vector<1x1024xf32>
    %div3A_167 = vector.broadcast %sqrt3A_166 : vector<1x1024xf32> to vector<256x1024xf32>
    %div3A_168 = arith.divf %sub3A_162, %div3A_167 : vector<256x1024xf32>
    %get3A_169 = arith.constant 0 : index
    %get3A_170 = arith.constant 0 : index
    %get3A_171 = vector.load %arg15[%get3A_169, %get3A_170] : memref<1x1024xf32, #tpu.memory_space<vmem>>, vector<1x1024xf32>
    %mul3A_172 = vector.broadcast %get3A_171 : vector<1x1024xf32> to vector<256x1024xf32>
    %mul3A_173 = arith.mulf %div3A_168, %mul3A_172 : vector<256x1024xf32>
    %get3A_174 = arith.constant 0 : index
    %get3A_175 = arith.constant 0 : index
    %get3A_176 = vector.load %arg20[%get3A_174, %get3A_175] : memref<1x1024xf32, #tpu.memory_space<vmem>>, vector<1x1024xf32>
    %add3A_177 = vector.broadcast %get3A_176 : vector<1x1024xf32> to vector<256x1024xf32>
    %add3A_178 = arith.addf %mul3A_173, %add3A_177 : vector<256x1024xf32>
    %max3A_179 = arith.constant 0.000000e+00 : f32
    %max3A_180 = vector.broadcast %max3A_179 : f32 to vector<256x1024xf32>
    %max3A_181 = arith.maximumf %add3A_178, %max3A_180 : vector<256x1024xf32>
    %get3A_182 = arith.constant 0 : index
    %get3A_183 = arith.constant 0 : index
    %get3A_184 = vector.load %arg4[%get3A_182, %get3A_183] : memref<1024x1024xf32, #tpu.memory_space<vmem>>, vector<1024x1024xf32>
    %dot_general3A_185 = arith.constant dense<0.000000e+00> : vector<256x1024xf32>
    %dot_general3A_186 = tpu.matmul %max3A_181, %get3A_184, %dot_general3A_185 {dimension_numbers = #tpu.dot_dimension_numbers<[1], [1], [0], [0], [0, 0, 1, 0], [], []>, transpose_lhs_hint = false} : vector<256x1024xf32>, vector<1024x1024xf32>, vector<256x1024xf32> -> vector<256x1024xf32>
    %get3A_187 = arith.constant 0 : index
    %get3A_188 = arith.constant 0 : index
    %get3A_189 = vector.load %arg10[%get3A_187, %get3A_188] : memref<1x1024xf32, #tpu.memory_space<vmem>>, vector<1x1024xf32>
    %add3A_190 = vector.broadcast %get3A_189 : vector<1x1024xf32> to vector<256x1024xf32>
    %add3A_191 = arith.addf %dot_general3A_186, %add3A_190 : vector<256x1024xf32>
    %reduce_sum3A_192 = arith.constant dense<0.000000e+00> : vector<1024xf32>
    %reduce_sum3A_193 = vector.multi_reduction <add>, %add3A_191, %reduce_sum3A_192 [0] : vector<256x1024xf32> to vector<1024xf32>
    %broadcast_in_dim3A_194 = vector.shape_cast %reduce_sum3A_193 : vector<1024xf32> to vector<1x1024xf32>
    %div3A_195 = arith.constant 2.560000e+02 : f32
    %div3A_196 = vector.broadcast %div3A_195 : f32 to vector<1x1024xf32>
    %div3A_197 = arith.divf %broadcast_in_dim3A_194, %div3A_196 : vector<1x1024xf32>
    %sub3A_198 = vector.broadcast %div3A_197 : vector<1x1024xf32> to vector<256x1024xf32>
    %sub3A_199 = arith.subf %add3A_191, %sub3A_198 : vector<256x1024xf32>
    %integer_pow3A_200 = arith.mulf %sub3A_199, %sub3A_199 : vector<256x1024xf32>
    %reduce_sum3A_201 = arith.constant dense<0.000000e+00> : vector<1024xf32>
    %reduce_sum3A_202 = vector.multi_reduction <add>, %integer_pow3A_200, %reduce_sum3A_201 [0] : vector<256x1024xf32> to vector<1024xf32>
    %broadcast_in_dim3A_203 = vector.shape_cast %reduce_sum3A_202 : vector<1024xf32> to vector<1x1024xf32>
    %div3A_204 = arith.constant 2.560000e+02 : f32
    %div3A_205 = vector.broadcast %div3A_204 : f32 to vector<1x1024xf32>
    %div3A_206 = arith.divf %broadcast_in_dim3A_203, %div3A_205 : vector<1x1024xf32>
    %sub3A_207 = vector.broadcast %div3A_197 : vector<1x1024xf32> to vector<256x1024xf32>
    %sub3A_208 = arith.subf %add3A_191, %sub3A_207 : vector<256x1024xf32>
    %add3A_209 = arith.constant 9.99999974E-6 : f32
    %add3A_210 = vector.broadcast %add3A_209 : f32 to vector<1x1024xf32>
    %add3A_211 = arith.addf %div3A_206, %add3A_210 : vector<1x1024xf32>
    %sqrt3A_212 = math.sqrt %add3A_211 : vector<1x1024xf32>
    %div3A_213 = vector.broadcast %sqrt3A_212 : vector<1x1024xf32> to vector<256x1024xf32>
    %div3A_214 = arith.divf %sub3A_208, %div3A_213 : vector<256x1024xf32>
    %get3A_215 = arith.constant 0 : index
    %get3A_216 = arith.constant 0 : index
    %get3A_217 = vector.load %arg16[%get3A_215, %get3A_216] : memref<1x1024xf32, #tpu.memory_space<vmem>>, vector<1x1024xf32>
    %mul3A_218 = vector.broadcast %get3A_217 : vector<1x1024xf32> to vector<256x1024xf32>
    %mul3A_219 = arith.mulf %div3A_214, %mul3A_218 : vector<256x1024xf32>
    %get3A_220 = arith.constant 0 : index
    %get3A_221 = arith.constant 0 : index
    %get3A_222 = vector.load %arg21[%get3A_220, %get3A_221] : memref<1x1024xf32, #tpu.memory_space<vmem>>, vector<1x1024xf32>
    %add3A_223 = vector.broadcast %get3A_222 : vector<1x1024xf32> to vector<256x1024xf32>
    %add3A_224 = arith.addf %mul3A_219, %add3A_223 : vector<256x1024xf32>
    %max3A_225 = arith.constant 0.000000e+00 : f32
    %max3A_226 = vector.broadcast %max3A_225 : f32 to vector<256x1024xf32>
    %max3A_227 = arith.maximumf %add3A_224, %max3A_226 : vector<256x1024xf32>
    %get3A_228 = arith.constant 0 : index
    %get3A_229 = arith.constant 0 : index
    %get3A_230 = vector.load %arg5[%get3A_228, %get3A_229] : memref<64x1024xf32, #tpu.memory_space<vmem>>, vector<64x1024xf32>
    %dot_general3A_231 = arith.constant dense<0.000000e+00> : vector<256x64xf32>
    %dot_general3A_232 = tpu.matmul %max3A_227, %get3A_230, %dot_general3A_231 {dimension_numbers = #tpu.dot_dimension_numbers<[1], [1], [0], [0], [0, 0, 1, 0], [], []>, transpose_lhs_hint = false} : vector<256x1024xf32>, vector<64x1024xf32>, vector<256x64xf32> -> vector<256x64xf32>
    %get3A_233 = arith.constant 0 : index
    %get3A_234 = arith.constant 0 : index
    %get3A_235 = vector.load %arg11[%get3A_233, %get3A_234] : memref<1x64xf32, #tpu.memory_space<vmem>>, vector<1x64xf32>
    %add3A_236 = vector.broadcast %get3A_235 : vector<1x64xf32> to vector<256x64xf32>
    %add3A_237 = arith.addf %dot_general3A_232, %add3A_236 : vector<256x64xf32>
    %mul3A_238 = arith.mulf %add3A_237, %add3A_237 : vector<256x64xf32>
    %reduce_sum3A_239 = arith.constant dense<0.000000e+00> : vector<256xf32>
    %reduce_sum3A_240 = vector.multi_reduction <add>, %mul3A_238, %reduce_sum3A_239 [1] : vector<256x64xf32> to vector<256xf32>
    %broadcast_in_dim3A_241 = vector.shape_cast %reduce_sum3A_240 : vector<256xf32> to vector<256x1xf32>
    %sqrt3A_242 = math.sqrt %broadcast_in_dim3A_241 : vector<256x1xf32>
    %add3A_243 = arith.constant 9.99999997E-7 : f32
    %add3A_244 = vector.broadcast %add3A_243 : f32 to vector<256x1xf32>
    %add3A_245 = arith.addf %sqrt3A_242, %add3A_244 : vector<256x1xf32>
    %div3A_246 = vector.broadcast %add3A_245 : vector<256x1xf32> to vector<256x64xf32>
    %div3A_247 = arith.divf %add3A_237, %div3A_246 : vector<256x64xf32>
    %get3A_248 = arith.constant 0 : index
    %get3A_249 = arith.constant 0 : index
    %get3A_250 = vector.load %arg22[%get3A_248, %get3A_249] : memref<768x64xf32, #tpu.memory_space<vmem>>, vector<768x64xf32>
    %dot_general3A_251 = arith.constant dense<0.000000e+00> : vector<256x768xf32>
    %dot_general3A_252 = tpu.matmul %div3A_247, %get3A_250, %dot_general3A_251 {dimension_numbers = #tpu.dot_dimension_numbers<[1], [1], [0], [0], [0, 0, 1, 0], [], []>, transpose_lhs_hint = false} : vector<256x64xf32>, vector<768x64xf32>, vector<256x768xf32> -> vector<256x768xf32>
    %get3A_253 = arith.constant 0 : index
    %get3A_254 = arith.constant 0 : index
    %get3A_255 = vector.load %arg23[%get3A_253, %get3A_254] : memref<1x768xf32, #tpu.memory_space<vmem>>, vector<1x768xf32>
    %add3A_256 = vector.broadcast %get3A_255 : vector<1x768xf32> to vector<256x768xf32>
    %add3A_257 = arith.addf %dot_general3A_252, %add3A_256 : vector<256x768xf32>
    %dot_general3A_258 = arith.constant dense<0.000000e+00> : vector<256x256xf32>
    %dot_general3A_259 = tpu.matmul %div3A_247, %div3A_247, %dot_general3A_258 {dimension_numbers = #tpu.dot_dimension_numbers<[1], [1], [0], [0], [0, 0, 1, 0], [], []>, transpose_lhs_hint = false} : vector<256x64xf32>, vector<256x64xf32>, vector<256x256xf32> -> vector<256x256xf32>
    %iota3A_260 = tpu.iota {dimensions = array<i32: 0>} : vector<256x256xi32>
    %iota3A_261 = tpu.iota {dimensions = array<i32: 1>} : vector<256x256xi32>
    %eq3A = arith.cmpi eq, %iota3A_260, %iota3A_261 : vector<256x256xi32>
    %jit3A_262 = arith.constant -1.000000e+00 : f32
    %broadcast_in_dim3A_263 = vector.broadcast %jit3A_262 : f32 to vector<256x256xf32>
    %select_n3A_264 = arith.select %eq3A, %broadcast_in_dim3A_263, %dot_general3A_259 : vector<256x256xi1>, vector<256x256xf32>
    %reduce_max3A = arith.constant dense<0xFF800000> : vector<256xf32>
    %reduce_max3A_265 = vector.multi_reduction <maximumf>, %select_n3A_264, %reduce_max3A [1] : vector<256x256xf32> to vector<256xf32>
    %reduce_sum3A_266 = vector.shape_cast %reduce_max3A_265 : vector<256xf32> to vector<1x256xf32>
    %reduce_sum3A_267 = arith.constant dense<0.000000e+00> : vector<1xf32>
    %reduce_sum3A_268 = vector.multi_reduction <add>, %reduce_sum3A_266, %reduce_sum3A_267 [1] : vector<1x256xf32> to vector<1xf32>
    %reduce_sum3A_269 = vector.shape_cast %reduce_sum3A_268 : vector<1xf32> to vector<1x1xf32>
    %reduce_sum3A_270 = vector.extract %reduce_sum3A_269[0, 0] : f32 from vector<1x1xf32>
    %div3A_271 = arith.constant 2.560000e+02 : f32
    %div3A_272 = arith.divf %reduce_sum3A_270, %div3A_271 : f32
    %reshape3A = vector.broadcast %div3A_272 : f32 to vector<1x1xf32>
    %swap3A = arith.constant 0 : index
    %swap3A_273 = arith.constant 0 : index
    %swap3A_274 = vector.load %arg26[%swap3A, %swap3A_273] : memref<1x1xf32, #tpu.memory_space<vmem>>, vector<1x1xf32>
    tpu.vector_store %arg26[%swap3A, %swap3A_273], %reshape3A {strides = array<i32>} : memref<1x1xf32, #tpu.memory_space<vmem>>, vector<1x1xf32>,
    %swap3A_275 = arith.constant 0 : index
    %swap3A_276 = arith.constant 0 : index
    %swap3A_277 = vector.load %arg24[%swap3A_275, %swap3A_276] : memref<256x64xf32, #tpu.memory_space<vmem>>, vector<256x64xf32>
    tpu.vector_store %arg24[%swap3A_275, %swap3A_276], %div3A_247 {strides = array<i32>} : memref<256x64xf32, #tpu.memory_space<vmem>>, vector<256x64xf32>,
    %swap3A_278 = arith.constant 0 : index
    %swap3A_279 = arith.constant 0 : index
    %swap3A_280 = vector.load %arg25[%swap3A_278, %swap3A_279] : memref<256x768xf32, #tpu.memory_space<vmem>>, vector<256x768xf32>
    tpu.vector_store %arg25[%swap3A_278, %swap3A_279], %add3A_257 {strides = array<i32>} : memref<256x768xf32, #tpu.memory_space<vmem>>, vector<256x768xf32>,
    return
  }
}

module attributes {stable_mosaic.version = 14 : i64} {
  func.func @body(%arg0: memref<1024x10xf32, #tpu.memory_space<vmem>>, %arg1: memref<1024x1024xf32, #tpu.memory_space<vmem>>, %arg2: memref<1024x1024xf32, #tpu.memory_space<vmem>>, %arg3: memref<1024x1024xf32, #tpu.memory_space<vmem>>, %arg4: memref<1024x1024xf32, #tpu.memory_space<vmem>>, %arg5: memref<64x1024xf32, #tpu.memory_space<vmem>>, %arg6: memref<1x1024xf32, #tpu.memory_space<vmem>>, %arg7: memref<1x1024xf32, #tpu.memory_space<vmem>>, %arg8: memref<1x1024xf32, #tpu.memory_space<vmem>>, %arg9: memref<1x1024xf32, #tpu.memory_space<vmem>>, %arg10: memref<1x1024xf32, #tpu.memory_space<vmem>>, %arg11: memref<1x64xf32, #tpu.memory_space<vmem>>, %arg12: memref<1x1024xf32, #tpu.memory_space<vmem>>, %arg13: memref<1x1024xf32, #tpu.memory_space<vmem>>, %arg14: memref<1x1024xf32, #tpu.memory_space<vmem>>, %arg15: memref<1x1024xf32, #tpu.memory_space<vmem>>, %arg16: memref<1x1024xf32, #tpu.memory_space<vmem>>, %arg17: memref<1x1024xf32, #tpu.memory_space<vmem>>, %arg18: memref<1x1024xf32, #tpu.memory_space<vmem>>, %arg19: memref<1x1024xf32, #tpu.memory_space<vmem>>, %arg20: memref<1x1024xf32, #tpu.memory_space<vmem>>, %arg21: memref<1x1024xf32, #tpu.memory_space<vmem>>, %arg22: memref<768x64xf32, #tpu.memory_space<vmem>>, %arg23: memref<1x768xf32, #tpu.memory_space<vmem>>, %arg24: memref<64x64xf32, #tpu.memory_space<vmem>>, %arg25: memref<64x768xf32, #tpu.memory_space<vmem>>, %arg26: memref<1x1xf32, #tpu.memory_space<vmem>>) attributes {dimension_semantics = [], scalar_prefetch = 0 : i64, scratch_operands = 0 : i64, tpu.core_type = #tpu.core_type<tc>} {
    %iota3A = tpu.iota {dimensions = array<i32: 0>} : vector<64x10xi32>
    %iota3A_0 = tpu.iota {dimensions = array<i32: 1>} : vector<64x10xi32>
    %sub3A = arith.constant 9 : i32
    %sub3A_1 = vector.broadcast %sub3A : i32 to vector<64x10xi32>
    %sub3A_2 = arith.subi %sub3A_1, %iota3A_0 : vector<64x10xi32>
    %shift_right_arithmetic3A = arith.shrsi %iota3A, %sub3A_2 : vector<64x10xi32>
    %and3A = arith.constant 1 : i32
    %and3A_3 = vector.broadcast %and3A : i32 to vector<64x10xi32>
    %and3A_4 = arith.andi %shift_right_arithmetic3A, %and3A_3 : vector<64x10xi32>
    %convert_element_type3A = arith.sitofp %and3A_4 : vector<64x10xi32> to vector<64x10xf32>
    %lt3A = arith.constant 4 : i32
    %lt3A_5 = vector.broadcast %lt3A : i32 to vector<64x10xi32>
    %lt3A_6 = arith.cmpi slt, %iota3A_0, %lt3A_5 : vector<64x10xi32>
    %jit3A = arith.constant -1.000000e+00 : f32
    %broadcast_in_dim3A = vector.broadcast %jit3A : f32 to vector<64x10xf32>
    %select_n3A = arith.select %lt3A_6, %broadcast_in_dim3A, %convert_element_type3A : vector<64x10xi1>, vector<64x10xf32>
    %get3A = arith.constant 0 : index
    %get3A_7 = arith.constant 0 : index
    %get3A_8 = vector.load %arg0[%get3A, %get3A_7] : memref<1024x10xf32, #tpu.memory_space<vmem>>, vector<1024x10xf32>
    %dot_general3A = arith.constant dense<0.000000e+00> : vector<64x1024xf32>
    %dot_general3A_9 = tpu.matmul %select_n3A, %get3A_8, %dot_general3A {dimension_numbers = #tpu.dot_dimension_numbers<[1], [1], [0], [0], [0, 0, 1, 0], [], []>, transpose_lhs_hint = false} : vector<64x10xf32>, vector<1024x10xf32>, vector<64x1024xf32> -> vector<64x1024xf32>
    %get3A_10 = arith.constant 0 : index
    %get3A_11 = arith.constant 0 : index
    %get3A_12 = vector.load %arg6[%get3A_10, %get3A_11] : memref<1x1024xf32, #tpu.memory_space<vmem>>, vector<1x1024xf32>
    %add3A = vector.broadcast %get3A_12 : vector<1x1024xf32> to vector<64x1024xf32>
    %add3A_13 = arith.addf %dot_general3A_9, %add3A : vector<64x1024xf32>
    %reduce_sum3A = arith.constant dense<0.000000e+00> : vector<1024xf32>
    %reduce_sum3A_14 = vector.multi_reduction <add>, %add3A_13, %reduce_sum3A [0] : vector<64x1024xf32> to vector<1024xf32>
    %broadcast_in_dim3A_15 = vector.shape_cast %reduce_sum3A_14 : vector<1024xf32> to vector<1x1024xf32>
    %div3A = arith.constant 6.400000e+01 : f32
    %div3A_16 = vector.broadcast %div3A : f32 to vector<1x1024xf32>
    %div3A_17 = arith.divf %broadcast_in_dim3A_15, %div3A_16 : vector<1x1024xf32>
    %sub3A_18 = vector.broadcast %div3A_17 : vector<1x1024xf32> to vector<64x1024xf32>
    %sub3A_19 = arith.subf %add3A_13, %sub3A_18 : vector<64x1024xf32>
    %integer_pow3A = arith.mulf %sub3A_19, %sub3A_19 : vector<64x1024xf32>
    %reduce_sum3A_20 = arith.constant dense<0.000000e+00> : vector<1024xf32>
    %reduce_sum3A_21 = vector.multi_reduction <add>, %integer_pow3A, %reduce_sum3A_20 [0] : vector<64x1024xf32> to vector<1024xf32>
    %broadcast_in_dim3A_22 = vector.shape_cast %reduce_sum3A_21 : vector<1024xf32> to vector<1x1024xf32>
    %div3A_23 = arith.constant 6.400000e+01 : f32
    %div3A_24 = vector.broadcast %div3A_23 : f32 to vector<1x1024xf32>
    %div3A_25 = arith.divf %broadcast_in_dim3A_22, %div3A_24 : vector<1x1024xf32>
    %sub3A_26 = vector.broadcast %div3A_17 : vector<1x1024xf32> to vector<64x1024xf32>
    %sub3A_27 = arith.subf %add3A_13, %sub3A_26 : vector<64x1024xf32>
    %add3A_28 = arith.constant 9.99999974E-6 : f32
    %add3A_29 = vector.broadcast %add3A_28 : f32 to vector<1x1024xf32>
    %add3A_30 = arith.addf %div3A_25, %add3A_29 : vector<1x1024xf32>
    %sqrt3A = math.sqrt %add3A_30 : vector<1x1024xf32>
    %div3A_31 = vector.broadcast %sqrt3A : vector<1x1024xf32> to vector<64x1024xf32>
    %div3A_32 = arith.divf %sub3A_27, %div3A_31 : vector<64x1024xf32>
    %get3A_33 = arith.constant 0 : index
    %get3A_34 = arith.constant 0 : index
    %get3A_35 = vector.load %arg12[%get3A_33, %get3A_34] : memref<1x1024xf32, #tpu.memory_space<vmem>>, vector<1x1024xf32>
    %mul3A = vector.broadcast %get3A_35 : vector<1x1024xf32> to vector<64x1024xf32>
    %mul3A_36 = arith.mulf %div3A_32, %mul3A : vector<64x1024xf32>
    %get3A_37 = arith.constant 0 : index
    %get3A_38 = arith.constant 0 : index
    %get3A_39 = vector.load %arg17[%get3A_37, %get3A_38] : memref<1x1024xf32, #tpu.memory_space<vmem>>, vector<1x1024xf32>
    %add3A_40 = vector.broadcast %get3A_39 : vector<1x1024xf32> to vector<64x1024xf32>
    %add3A_41 = arith.addf %mul3A_36, %add3A_40 : vector<64x1024xf32>
    %max3A = arith.constant 0.000000e+00 : f32
    %max3A_42 = vector.broadcast %max3A : f32 to vector<64x1024xf32>
    %max3A_43 = arith.maximumf %add3A_41, %max3A_42 : vector<64x1024xf32>
    %get3A_44 = arith.constant 0 : index
    %get3A_45 = arith.constant 0 : index
    %get3A_46 = vector.load %arg1[%get3A_44, %get3A_45] : memref<1024x1024xf32, #tpu.memory_space<vmem>>, vector<1024x1024xf32>
    %dot_general3A_47 = arith.constant dense<0.000000e+00> : vector<64x1024xf32>
    %dot_general3A_48 = tpu.matmul %max3A_43, %get3A_46, %dot_general3A_47 {dimension_numbers = #tpu.dot_dimension_numbers<[1], [1], [0], [0], [0, 0, 1, 0], [], []>, transpose_lhs_hint = false} : vector<64x1024xf32>, vector<1024x1024xf32>, vector<64x1024xf32> -> vector<64x1024xf32>
    %get3A_49 = arith.constant 0 : index
    %get3A_50 = arith.constant 0 : index
    %get3A_51 = vector.load %arg7[%get3A_49, %get3A_50] : memref<1x1024xf32, #tpu.memory_space<vmem>>, vector<1x1024xf32>
    %add3A_52 = vector.broadcast %get3A_51 : vector<1x1024xf32> to vector<64x1024xf32>
    %add3A_53 = arith.addf %dot_general3A_48, %add3A_52 : vector<64x1024xf32>
    %reduce_sum3A_54 = arith.constant dense<0.000000e+00> : vector<1024xf32>
    %reduce_sum3A_55 = vector.multi_reduction <add>, %add3A_53, %reduce_sum3A_54 [0] : vector<64x1024xf32> to vector<1024xf32>
    %broadcast_in_dim3A_56 = vector.shape_cast %reduce_sum3A_55 : vector<1024xf32> to vector<1x1024xf32>
    %div3A_57 = arith.constant 6.400000e+01 : f32
    %div3A_58 = vector.broadcast %div3A_57 : f32 to vector<1x1024xf32>
    %div3A_59 = arith.divf %broadcast_in_dim3A_56, %div3A_58 : vector<1x1024xf32>
    %sub3A_60 = vector.broadcast %div3A_59 : vector<1x1024xf32> to vector<64x1024xf32>
    %sub3A_61 = arith.subf %add3A_53, %sub3A_60 : vector<64x1024xf32>
    %integer_pow3A_62 = arith.mulf %sub3A_61, %sub3A_61 : vector<64x1024xf32>
    %reduce_sum3A_63 = arith.constant dense<0.000000e+00> : vector<1024xf32>
    %reduce_sum3A_64 = vector.multi_reduction <add>, %integer_pow3A_62, %reduce_sum3A_63 [0] : vector<64x1024xf32> to vector<1024xf32>
    %broadcast_in_dim3A_65 = vector.shape_cast %reduce_sum3A_64 : vector<1024xf32> to vector<1x1024xf32>
    %div3A_66 = arith.constant 6.400000e+01 : f32
    %div3A_67 = vector.broadcast %div3A_66 : f32 to vector<1x1024xf32>
    %div3A_68 = arith.divf %broadcast_in_dim3A_65, %div3A_67 : vector<1x1024xf32>
    %sub3A_69 = vector.broadcast %div3A_59 : vector<1x1024xf32> to vector<64x1024xf32>
    %sub3A_70 = arith.subf %add3A_53, %sub3A_69 : vector<64x1024xf32>
    %add3A_71 = arith.constant 9.99999974E-6 : f32
    %add3A_72 = vector.broadcast %add3A_71 : f32 to vector<1x1024xf32>
    %add3A_73 = arith.addf %div3A_68, %add3A_72 : vector<1x1024xf32>
    %sqrt3A_74 = math.sqrt %add3A_73 : vector<1x1024xf32>
    %div3A_75 = vector.broadcast %sqrt3A_74 : vector<1x1024xf32> to vector<64x1024xf32>
    %div3A_76 = arith.divf %sub3A_70, %div3A_75 : vector<64x1024xf32>
    %get3A_77 = arith.constant 0 : index
    %get3A_78 = arith.constant 0 : index
    %get3A_79 = vector.load %arg13[%get3A_77, %get3A_78] : memref<1x1024xf32, #tpu.memory_space<vmem>>, vector<1x1024xf32>
    %mul3A_80 = vector.broadcast %get3A_79 : vector<1x1024xf32> to vector<64x1024xf32>
    %mul3A_81 = arith.mulf %div3A_76, %mul3A_80 : vector<64x1024xf32>
    %get3A_82 = arith.constant 0 : index
    %get3A_83 = arith.constant 0 : index
    %get3A_84 = vector.load %arg18[%get3A_82, %get3A_83] : memref<1x1024xf32, #tpu.memory_space<vmem>>, vector<1x1024xf32>
    %add3A_85 = vector.broadcast %get3A_84 : vector<1x1024xf32> to vector<64x1024xf32>
    %add3A_86 = arith.addf %mul3A_81, %add3A_85 : vector<64x1024xf32>
    %max3A_87 = arith.constant 0.000000e+00 : f32
    %max3A_88 = vector.broadcast %max3A_87 : f32 to vector<64x1024xf32>
    %max3A_89 = arith.maximumf %add3A_86, %max3A_88 : vector<64x1024xf32>
    %get3A_90 = arith.constant 0 : index
    %get3A_91 = arith.constant 0 : index
    %get3A_92 = vector.load %arg2[%get3A_90, %get3A_91] : memref<1024x1024xf32, #tpu.memory_space<vmem>>, vector<1024x1024xf32>
    %dot_general3A_93 = arith.constant dense<0.000000e+00> : vector<64x1024xf32>
    %dot_general3A_94 = tpu.matmul %max3A_89, %get3A_92, %dot_general3A_93 {dimension_numbers = #tpu.dot_dimension_numbers<[1], [1], [0], [0], [0, 0, 1, 0], [], []>, transpose_lhs_hint = false} : vector<64x1024xf32>, vector<1024x1024xf32>, vector<64x1024xf32> -> vector<64x1024xf32>
    %get3A_95 = arith.constant 0 : index
    %get3A_96 = arith.constant 0 : index
    %get3A_97 = vector.load %arg8[%get3A_95, %get3A_96] : memref<1x1024xf32, #tpu.memory_space<vmem>>, vector<1x1024xf32>
    %add3A_98 = vector.broadcast %get3A_97 : vector<1x1024xf32> to vector<64x1024xf32>
    %add3A_99 = arith.addf %dot_general3A_94, %add3A_98 : vector<64x1024xf32>
    %reduce_sum3A_100 = arith.constant dense<0.000000e+00> : vector<1024xf32>
    %reduce_sum3A_101 = vector.multi_reduction <add>, %add3A_99, %reduce_sum3A_100 [0] : vector<64x1024xf32> to vector<1024xf32>
    %broadcast_in_dim3A_102 = vector.shape_cast %reduce_sum3A_101 : vector<1024xf32> to vector<1x1024xf32>
    %div3A_103 = arith.constant 6.400000e+01 : f32
    %div3A_104 = vector.broadcast %div3A_103 : f32 to vector<1x1024xf32>
    %div3A_105 = arith.divf %broadcast_in_dim3A_102, %div3A_104 : vector<1x1024xf32>
    %sub3A_106 = vector.broadcast %div3A_105 : vector<1x1024xf32> to vector<64x1024xf32>
    %sub3A_107 = arith.subf %add3A_99, %sub3A_106 : vector<64x1024xf32>
    %integer_pow3A_108 = arith.mulf %sub3A_107, %sub3A_107 : vector<64x1024xf32>
    %reduce_sum3A_109 = arith.constant dense<0.000000e+00> : vector<1024xf32>
    %reduce_sum3A_110 = vector.multi_reduction <add>, %integer_pow3A_108, %reduce_sum3A_109 [0] : vector<64x1024xf32> to vector<1024xf32>
    %broadcast_in_dim3A_111 = vector.shape_cast %reduce_sum3A_110 : vector<1024xf32> to vector<1x1024xf32>
    %div3A_112 = arith.constant 6.400000e+01 : f32
    %div3A_113 = vector.broadcast %div3A_112 : f32 to vector<1x1024xf32>
    %div3A_114 = arith.divf %broadcast_in_dim3A_111, %div3A_113 : vector<1x1024xf32>
    %sub3A_115 = vector.broadcast %div3A_105 : vector<1x1024xf32> to vector<64x1024xf32>
    %sub3A_116 = arith.subf %add3A_99, %sub3A_115 : vector<64x1024xf32>
    %add3A_117 = arith.constant 9.99999974E-6 : f32
    %add3A_118 = vector.broadcast %add3A_117 : f32 to vector<1x1024xf32>
    %add3A_119 = arith.addf %div3A_114, %add3A_118 : vector<1x1024xf32>
    %sqrt3A_120 = math.sqrt %add3A_119 : vector<1x1024xf32>
    %div3A_121 = vector.broadcast %sqrt3A_120 : vector<1x1024xf32> to vector<64x1024xf32>
    %div3A_122 = arith.divf %sub3A_116, %div3A_121 : vector<64x1024xf32>
    %get3A_123 = arith.constant 0 : index
    %get3A_124 = arith.constant 0 : index
    %get3A_125 = vector.load %arg14[%get3A_123, %get3A_124] : memref<1x1024xf32, #tpu.memory_space<vmem>>, vector<1x1024xf32>
    %mul3A_126 = vector.broadcast %get3A_125 : vector<1x1024xf32> to vector<64x1024xf32>
    %mul3A_127 = arith.mulf %div3A_122, %mul3A_126 : vector<64x1024xf32>
    %get3A_128 = arith.constant 0 : index
    %get3A_129 = arith.constant 0 : index
    %get3A_130 = vector.load %arg19[%get3A_128, %get3A_129] : memref<1x1024xf32, #tpu.memory_space<vmem>>, vector<1x1024xf32>
    %add3A_131 = vector.broadcast %get3A_130 : vector<1x1024xf32> to vector<64x1024xf32>
    %add3A_132 = arith.addf %mul3A_127, %add3A_131 : vector<64x1024xf32>
    %max3A_133 = arith.constant 0.000000e+00 : f32
    %max3A_134 = vector.broadcast %max3A_133 : f32 to vector<64x1024xf32>
    %max3A_135 = arith.maximumf %add3A_132, %max3A_134 : vector<64x1024xf32>
    %get3A_136 = arith.constant 0 : index
    %get3A_137 = arith.constant 0 : index
    %get3A_138 = vector.load %arg3[%get3A_136, %get3A_137] : memref<1024x1024xf32, #tpu.memory_space<vmem>>, vector<1024x1024xf32>
    %dot_general3A_139 = arith.constant dense<0.000000e+00> : vector<64x1024xf32>
    %dot_general3A_140 = tpu.matmul %max3A_135, %get3A_138, %dot_general3A_139 {dimension_numbers = #tpu.dot_dimension_numbers<[1], [1], [0], [0], [0, 0, 1, 0], [], []>, transpose_lhs_hint = false} : vector<64x1024xf32>, vector<1024x1024xf32>, vector<64x1024xf32> -> vector<64x1024xf32>
    %get3A_141 = arith.constant 0 : index
    %get3A_142 = arith.constant 0 : index
    %get3A_143 = vector.load %arg9[%get3A_141, %get3A_142] : memref<1x1024xf32, #tpu.memory_space<vmem>>, vector<1x1024xf32>
    %add3A_144 = vector.broadcast %get3A_143 : vector<1x1024xf32> to vector<64x1024xf32>
    %add3A_145 = arith.addf %dot_general3A_140, %add3A_144 : vector<64x1024xf32>
    %reduce_sum3A_146 = arith.constant dense<0.000000e+00> : vector<1024xf32>
    %reduce_sum3A_147 = vector.multi_reduction <add>, %add3A_145, %reduce_sum3A_146 [0] : vector<64x1024xf32> to vector<1024xf32>
    %broadcast_in_dim3A_148 = vector.shape_cast %reduce_sum3A_147 : vector<1024xf32> to vector<1x1024xf32>
    %div3A_149 = arith.constant 6.400000e+01 : f32
    %div3A_150 = vector.broadcast %div3A_149 : f32 to vector<1x1024xf32>
    %div3A_151 = arith.divf %broadcast_in_dim3A_148, %div3A_150 : vector<1x1024xf32>
    %sub3A_152 = vector.broadcast %div3A_151 : vector<1x1024xf32> to vector<64x1024xf32>
    %sub3A_153 = arith.subf %add3A_145, %sub3A_152 : vector<64x1024xf32>
    %integer_pow3A_154 = arith.mulf %sub3A_153, %sub3A_153 : vector<64x1024xf32>
    %reduce_sum3A_155 = arith.constant dense<0.000000e+00> : vector<1024xf32>
    %reduce_sum3A_156 = vector.multi_reduction <add>, %integer_pow3A_154, %reduce_sum3A_155 [0] : vector<64x1024xf32> to vector<1024xf32>
    %broadcast_in_dim3A_157 = vector.shape_cast %reduce_sum3A_156 : vector<1024xf32> to vector<1x1024xf32>
    %div3A_158 = arith.constant 6.400000e+01 : f32
    %div3A_159 = vector.broadcast %div3A_158 : f32 to vector<1x1024xf32>
    %div3A_160 = arith.divf %broadcast_in_dim3A_157, %div3A_159 : vector<1x1024xf32>
    %sub3A_161 = vector.broadcast %div3A_151 : vector<1x1024xf32> to vector<64x1024xf32>
    %sub3A_162 = arith.subf %add3A_145, %sub3A_161 : vector<64x1024xf32>
    %add3A_163 = arith.constant 9.99999974E-6 : f32
    %add3A_164 = vector.broadcast %add3A_163 : f32 to vector<1x1024xf32>
    %add3A_165 = arith.addf %div3A_160, %add3A_164 : vector<1x1024xf32>
    %sqrt3A_166 = math.sqrt %add3A_165 : vector<1x1024xf32>
    %div3A_167 = vector.broadcast %sqrt3A_166 : vector<1x1024xf32> to vector<64x1024xf32>
    %div3A_168 = arith.divf %sub3A_162, %div3A_167 : vector<64x1024xf32>
    %get3A_169 = arith.constant 0 : index
    %get3A_170 = arith.constant 0 : index
    %get3A_171 = vector.load %arg15[%get3A_169, %get3A_170] : memref<1x1024xf32, #tpu.memory_space<vmem>>, vector<1x1024xf32>
    %mul3A_172 = vector.broadcast %get3A_171 : vector<1x1024xf32> to vector<64x1024xf32>
    %mul3A_173 = arith.mulf %div3A_168, %mul3A_172 : vector<64x1024xf32>
    %get3A_174 = arith.constant 0 : index
    %get3A_175 = arith.constant 0 : index
    %get3A_176 = vector.load %arg20[%get3A_174, %get3A_175] : memref<1x1024xf32, #tpu.memory_space<vmem>>, vector<1x1024xf32>
    %add3A_177 = vector.broadcast %get3A_176 : vector<1x1024xf32> to vector<64x1024xf32>
    %add3A_178 = arith.addf %mul3A_173, %add3A_177 : vector<64x1024xf32>
    %max3A_179 = arith.constant 0.000000e+00 : f32
    %max3A_180 = vector.broadcast %max3A_179 : f32 to vector<64x1024xf32>
    %max3A_181 = arith.maximumf %add3A_178, %max3A_180 : vector<64x1024xf32>
    %get3A_182 = arith.constant 0 : index
    %get3A_183 = arith.constant 0 : index
    %get3A_184 = vector.load %arg4[%get3A_182, %get3A_183] : memref<1024x1024xf32, #tpu.memory_space<vmem>>, vector<1024x1024xf32>
    %dot_general3A_185 = arith.constant dense<0.000000e+00> : vector<64x1024xf32>
    %dot_general3A_186 = tpu.matmul %max3A_181, %get3A_184, %dot_general3A_185 {dimension_numbers = #tpu.dot_dimension_numbers<[1], [1], [0], [0], [0, 0, 1, 0], [], []>, transpose_lhs_hint = false} : vector<64x1024xf32>, vector<1024x1024xf32>, vector<64x1024xf32> -> vector<64x1024xf32>
    %get3A_187 = arith.constant 0 : index
    %get3A_188 = arith.constant 0 : index
    %get3A_189 = vector.load %arg10[%get3A_187, %get3A_188] : memref<1x1024xf32, #tpu.memory_space<vmem>>, vector<1x1024xf32>
    %add3A_190 = vector.broadcast %get3A_189 : vector<1x1024xf32> to vector<64x1024xf32>
    %add3A_191 = arith.addf %dot_general3A_186, %add3A_190 : vector<64x1024xf32>
    %reduce_sum3A_192 = arith.constant dense<0.000000e+00> : vector<1024xf32>
    %reduce_sum3A_193 = vector.multi_reduction <add>, %add3A_191, %reduce_sum3A_192 [0] : vector<64x1024xf32> to vector<1024xf32>
    %broadcast_in_dim3A_194 = vector.shape_cast %reduce_sum3A_193 : vector<1024xf32> to vector<1x1024xf32>
    %div3A_195 = arith.constant 6.400000e+01 : f32
    %div3A_196 = vector.broadcast %div3A_195 : f32 to vector<1x1024xf32>
    %div3A_197 = arith.divf %broadcast_in_dim3A_194, %div3A_196 : vector<1x1024xf32>
    %sub3A_198 = vector.broadcast %div3A_197 : vector<1x1024xf32> to vector<64x1024xf32>
    %sub3A_199 = arith.subf %add3A_191, %sub3A_198 : vector<64x1024xf32>
    %integer_pow3A_200 = arith.mulf %sub3A_199, %sub3A_199 : vector<64x1024xf32>
    %reduce_sum3A_201 = arith.constant dense<0.000000e+00> : vector<1024xf32>
    %reduce_sum3A_202 = vector.multi_reduction <add>, %integer_pow3A_200, %reduce_sum3A_201 [0] : vector<64x1024xf32> to vector<1024xf32>
    %broadcast_in_dim3A_203 = vector.shape_cast %reduce_sum3A_202 : vector<1024xf32> to vector<1x1024xf32>
    %div3A_204 = arith.constant 6.400000e+01 : f32
    %div3A_205 = vector.broadcast %div3A_204 : f32 to vector<1x1024xf32>
    %div3A_206 = arith.divf %broadcast_in_dim3A_203, %div3A_205 : vector<1x1024xf32>
    %sub3A_207 = vector.broadcast %div3A_197 : vector<1x1024xf32> to vector<64x1024xf32>
    %sub3A_208 = arith.subf %add3A_191, %sub3A_207 : vector<64x1024xf32>
    %add3A_209 = arith.constant 9.99999974E-6 : f32
    %add3A_210 = vector.broadcast %add3A_209 : f32 to vector<1x1024xf32>
    %add3A_211 = arith.addf %div3A_206, %add3A_210 : vector<1x1024xf32>
    %sqrt3A_212 = math.sqrt %add3A_211 : vector<1x1024xf32>
    %div3A_213 = vector.broadcast %sqrt3A_212 : vector<1x1024xf32> to vector<64x1024xf32>
    %div3A_214 = arith.divf %sub3A_208, %div3A_213 : vector<64x1024xf32>
    %get3A_215 = arith.constant 0 : index
    %get3A_216 = arith.constant 0 : index
    %get3A_217 = vector.load %arg16[%get3A_215, %get3A_216] : memref<1x1024xf32, #tpu.memory_space<vmem>>, vector<1x1024xf32>
    %mul3A_218 = vector.broadcast %get3A_217 : vector<1x1024xf32> to vector<64x1024xf32>
    %mul3A_219 = arith.mulf %div3A_214, %mul3A_218 : vector<64x1024xf32>
    %get3A_220 = arith.constant 0 : index
    %get3A_221 = arith.constant 0 : index
    %get3A_222 = vector.load %arg21[%get3A_220, %get3A_221] : memref<1x1024xf32, #tpu.memory_space<vmem>>, vector<1x1024xf32>
    %add3A_223 = vector.broadcast %get3A_222 : vector<1x1024xf32> to vector<64x1024xf32>
    %add3A_224 = arith.addf %mul3A_219, %add3A_223 : vector<64x1024xf32>
    %max3A_225 = arith.constant 0.000000e+00 : f32
    %max3A_226 = vector.broadcast %max3A_225 : f32 to vector<64x1024xf32>
    %max3A_227 = arith.maximumf %add3A_224, %max3A_226 : vector<64x1024xf32>
    %get3A_228 = arith.constant 0 : index
    %get3A_229 = arith.constant 0 : index
    %get3A_230 = vector.load %arg5[%get3A_228, %get3A_229] : memref<64x1024xf32, #tpu.memory_space<vmem>>, vector<64x1024xf32>
    %dot_general3A_231 = arith.constant dense<0.000000e+00> : vector<64x64xf32>
    %dot_general3A_232 = tpu.matmul %max3A_227, %get3A_230, %dot_general3A_231 {dimension_numbers = #tpu.dot_dimension_numbers<[1], [1], [0], [0], [0, 0, 1, 0], [], []>, transpose_lhs_hint = false} : vector<64x1024xf32>, vector<64x1024xf32>, vector<64x64xf32> -> vector<64x64xf32>
    %get3A_233 = arith.constant 0 : index
    %get3A_234 = arith.constant 0 : index
    %get3A_235 = vector.load %arg11[%get3A_233, %get3A_234] : memref<1x64xf32, #tpu.memory_space<vmem>>, vector<1x64xf32>
    %add3A_236 = vector.broadcast %get3A_235 : vector<1x64xf32> to vector<64x64xf32>
    %add3A_237 = arith.addf %dot_general3A_232, %add3A_236 : vector<64x64xf32>
    %mul3A_238 = arith.mulf %add3A_237, %add3A_237 : vector<64x64xf32>
    %reduce_sum3A_239 = arith.constant dense<0.000000e+00> : vector<64xf32>
    %reduce_sum3A_240 = vector.multi_reduction <add>, %mul3A_238, %reduce_sum3A_239 [1] : vector<64x64xf32> to vector<64xf32>
    %broadcast_in_dim3A_241 = vector.shape_cast %reduce_sum3A_240 : vector<64xf32> to vector<64x1xf32>
    %sqrt3A_242 = math.sqrt %broadcast_in_dim3A_241 : vector<64x1xf32>
    %add3A_243 = arith.constant 9.99999997E-7 : f32
    %add3A_244 = vector.broadcast %add3A_243 : f32 to vector<64x1xf32>
    %add3A_245 = arith.addf %sqrt3A_242, %add3A_244 : vector<64x1xf32>
    %div3A_246 = vector.broadcast %add3A_245 : vector<64x1xf32> to vector<64x64xf32>
    %div3A_247 = arith.divf %add3A_237, %div3A_246 : vector<64x64xf32>
    %get3A_248 = arith.constant 0 : index
    %get3A_249 = arith.constant 0 : index
    %get3A_250 = vector.load %arg22[%get3A_248, %get3A_249] : memref<768x64xf32, #tpu.memory_space<vmem>>, vector<768x64xf32>
    %dot_general3A_251 = arith.constant dense<0.000000e+00> : vector<64x768xf32>
    %dot_general3A_252 = tpu.matmul %div3A_247, %get3A_250, %dot_general3A_251 {dimension_numbers = #tpu.dot_dimension_numbers<[1], [1], [0], [0], [0, 0, 1, 0], [], []>, transpose_lhs_hint = false} : vector<64x64xf32>, vector<768x64xf32>, vector<64x768xf32> -> vector<64x768xf32>
    %get3A_253 = arith.constant 0 : index
    %get3A_254 = arith.constant 0 : index
    %get3A_255 = vector.load %arg23[%get3A_253, %get3A_254] : memref<1x768xf32, #tpu.memory_space<vmem>>, vector<1x768xf32>
    %add3A_256 = vector.broadcast %get3A_255 : vector<1x768xf32> to vector<64x768xf32>
    %add3A_257 = arith.addf %dot_general3A_252, %add3A_256 : vector<64x768xf32>
    %dot_general3A_258 = arith.constant dense<0.000000e+00> : vector<64x64xf32>
    %dot_general3A_259 = tpu.matmul %div3A_247, %div3A_247, %dot_general3A_258 {dimension_numbers = #tpu.dot_dimension_numbers<[1], [1], [0], [0], [0, 0, 1, 0], [], []>, transpose_lhs_hint = false} : vector<64x64xf32>, vector<64x64xf32>, vector<64x64xf32> -> vector<64x64xf32>
    %iota3A_260 = tpu.iota {dimensions = array<i32: 0>} : vector<64x64xi32>
    %iota3A_261 = tpu.iota {dimensions = array<i32: 1>} : vector<64x64xi32>
    %eq3A = arith.cmpi eq, %iota3A_260, %iota3A_261 : vector<64x64xi32>
    %jit3A_262 = arith.constant -1.000000e+00 : f32
    %broadcast_in_dim3A_263 = vector.broadcast %jit3A_262 : f32 to vector<64x64xf32>
    %select_n3A_264 = arith.select %eq3A, %broadcast_in_dim3A_263, %dot_general3A_259 : vector<64x64xi1>, vector<64x64xf32>
    %reduce_max3A = arith.constant dense<0xFF800000> : vector<64xf32>
    %reduce_max3A_265 = vector.multi_reduction <maximumf>, %select_n3A_264, %reduce_max3A [1] : vector<64x64xf32> to vector<64xf32>
    %reduce_sum3A_266 = vector.shape_cast %reduce_max3A_265 : vector<64xf32> to vector<1x64xf32>
    %reduce_sum3A_267 = arith.constant dense<0.000000e+00> : vector<1xf32>
    %reduce_sum3A_268 = vector.multi_reduction <add>, %reduce_sum3A_266, %reduce_sum3A_267 [1] : vector<1x64xf32> to vector<1xf32>
    %reduce_sum3A_269 = vector.shape_cast %reduce_sum3A_268 : vector<1xf32> to vector<1x1xf32>
    %reduce_sum3A_270 = vector.extract %reduce_sum3A_269[0, 0] : f32 from vector<1x1xf32>
    %div3A_271 = arith.constant 6.400000e+01 : f32
    %div3A_272 = arith.divf %reduce_sum3A_270, %div3A_271 : f32
    %reshape3A = vector.broadcast %div3A_272 : f32 to vector<1x1xf32>
    %swap3A = arith.constant 0 : index
    %swap3A_273 = arith.constant 0 : index
    %swap3A_274 = vector.load %arg26[%swap3A, %swap3A_273] : memref<1x1xf32, #tpu.memory_space<vmem>>, vector<1x1xf32>
    tpu.vector_store %arg26[%swap3A, %swap3A_273], %reshape3A {strides = array<i32>} : memref<1x1xf32, #tpu.memory_space<vmem>>, vector<1x1xf32>,
    %swap3A_275 = arith.constant 0 : index
    %swap3A_276 = arith.constant 0 : index
    %swap3A_277 = vector.load %arg24[%swap3A_275, %swap3A_276] : memref<64x64xf32, #tpu.memory_space<vmem>>, vector<64x64xf32>
    tpu.vector_store %arg24[%swap3A_275, %swap3A_276], %div3A_247 {strides = array<i32>} : memref<64x64xf32, #tpu.memory_space<vmem>>, vector<64x64xf32>,
    %swap3A_278 = arith.constant 0 : index
    %swap3A_279 = arith.constant 0 : index
    %swap3A_280 = vector.load %arg25[%swap3A_278, %swap3A_279] : memref<64x768xf32, #tpu.memory_space<vmem>>, vector<64x768xf32>
    tpu.vector_store %arg25[%swap3A_278, %swap3A_279], %add3A_257 {strides = array<i32>} : memref<64x768xf32, #tpu.memory_space<vmem>>, vector<64x768xf32>,
    return
  }
}

module attributes {stable_mosaic.version = 14 : i64} {
  func.func @body(%arg0: memref<1024x10xf32, #tpu.memory_space<vmem>>, %arg1: memref<1024x1024xf32, #tpu.memory_space<vmem>>, %arg2: memref<1024x1024xf32, #tpu.memory_space<vmem>>, %arg3: memref<1024x1024xf32, #tpu.memory_space<vmem>>, %arg4: memref<1024x1024xf32, #tpu.memory_space<vmem>>, %arg5: memref<64x1024xf32, #tpu.memory_space<vmem>>, %arg6: memref<1x1024xf32, #tpu.memory_space<vmem>>, %arg7: memref<1x1024xf32, #tpu.memory_space<vmem>>, %arg8: memref<1x1024xf32, #tpu.memory_space<vmem>>, %arg9: memref<1x1024xf32, #tpu.memory_space<vmem>>, %arg10: memref<1x1024xf32, #tpu.memory_space<vmem>>, %arg11: memref<1x64xf32, #tpu.memory_space<vmem>>, %arg12: memref<1x1024xf32, #tpu.memory_space<vmem>>, %arg13: memref<1x1024xf32, #tpu.memory_space<vmem>>, %arg14: memref<1x1024xf32, #tpu.memory_space<vmem>>, %arg15: memref<1x1024xf32, #tpu.memory_space<vmem>>, %arg16: memref<1x1024xf32, #tpu.memory_space<vmem>>, %arg17: memref<1x1024xf32, #tpu.memory_space<vmem>>, %arg18: memref<1x1024xf32, #tpu.memory_space<vmem>>, %arg19: memref<1x1024xf32, #tpu.memory_space<vmem>>, %arg20: memref<1x1024xf32, #tpu.memory_space<vmem>>, %arg21: memref<1x1024xf32, #tpu.memory_space<vmem>>, %arg22: memref<768x64xf32, #tpu.memory_space<vmem>>, %arg23: memref<1x768xf32, #tpu.memory_space<vmem>>, %arg24: memref<16x64xf32, #tpu.memory_space<vmem>>, %arg25: memref<16x768xf32, #tpu.memory_space<vmem>>, %arg26: memref<1x1xf32, #tpu.memory_space<vmem>>) attributes {dimension_semantics = [], scalar_prefetch = 0 : i64, scratch_operands = 0 : i64, tpu.core_type = #tpu.core_type<tc>} {
    %iota3A = tpu.iota {dimensions = array<i32: 0>} : vector<16x10xi32>
    %iota3A_0 = tpu.iota {dimensions = array<i32: 1>} : vector<16x10xi32>
    %sub3A = arith.constant 9 : i32
    %sub3A_1 = vector.broadcast %sub3A : i32 to vector<16x10xi32>
    %sub3A_2 = arith.subi %sub3A_1, %iota3A_0 : vector<16x10xi32>
    %shift_right_arithmetic3A = arith.shrsi %iota3A, %sub3A_2 : vector<16x10xi32>
    %and3A = arith.constant 1 : i32
    %and3A_3 = vector.broadcast %and3A : i32 to vector<16x10xi32>
    %and3A_4 = arith.andi %shift_right_arithmetic3A, %and3A_3 : vector<16x10xi32>
    %convert_element_type3A = arith.sitofp %and3A_4 : vector<16x10xi32> to vector<16x10xf32>
    %lt3A = arith.constant 6 : i32
    %lt3A_5 = vector.broadcast %lt3A : i32 to vector<16x10xi32>
    %lt3A_6 = arith.cmpi slt, %iota3A_0, %lt3A_5 : vector<16x10xi32>
    %jit3A = arith.constant -1.000000e+00 : f32
    %broadcast_in_dim3A = vector.broadcast %jit3A : f32 to vector<16x10xf32>
    %select_n3A = arith.select %lt3A_6, %broadcast_in_dim3A, %convert_element_type3A : vector<16x10xi1>, vector<16x10xf32>
    %get3A = arith.constant 0 : index
    %get3A_7 = arith.constant 0 : index
    %get3A_8 = vector.load %arg0[%get3A, %get3A_7] : memref<1024x10xf32, #tpu.memory_space<vmem>>, vector<1024x10xf32>
    %dot_general3A = arith.constant dense<0.000000e+00> : vector<16x1024xf32>
    %dot_general3A_9 = tpu.matmul %select_n3A, %get3A_8, %dot_general3A {dimension_numbers = #tpu.dot_dimension_numbers<[1], [1], [0], [0], [0, 0, 1, 0], [], []>, transpose_lhs_hint = false} : vector<16x10xf32>, vector<1024x10xf32>, vector<16x1024xf32> -> vector<16x1024xf32>
    %get3A_10 = arith.constant 0 : index
    %get3A_11 = arith.constant 0 : index
    %get3A_12 = vector.load %arg6[%get3A_10, %get3A_11] : memref<1x1024xf32, #tpu.memory_space<vmem>>, vector<1x1024xf32>
    %add3A = vector.broadcast %get3A_12 : vector<1x1024xf32> to vector<16x1024xf32>
    %add3A_13 = arith.addf %dot_general3A_9, %add3A : vector<16x1024xf32>
    %reduce_sum3A = arith.constant dense<0.000000e+00> : vector<1024xf32>
    %reduce_sum3A_14 = vector.multi_reduction <add>, %add3A_13, %reduce_sum3A [0] : vector<16x1024xf32> to vector<1024xf32>
    %broadcast_in_dim3A_15 = vector.shape_cast %reduce_sum3A_14 : vector<1024xf32> to vector<1x1024xf32>
    %div3A = arith.constant 1.600000e+01 : f32
    %div3A_16 = vector.broadcast %div3A : f32 to vector<1x1024xf32>
    %div3A_17 = arith.divf %broadcast_in_dim3A_15, %div3A_16 : vector<1x1024xf32>
    %sub3A_18 = vector.broadcast %div3A_17 : vector<1x1024xf32> to vector<16x1024xf32>
    %sub3A_19 = arith.subf %add3A_13, %sub3A_18 : vector<16x1024xf32>
    %integer_pow3A = arith.mulf %sub3A_19, %sub3A_19 : vector<16x1024xf32>
    %reduce_sum3A_20 = arith.constant dense<0.000000e+00> : vector<1024xf32>
    %reduce_sum3A_21 = vector.multi_reduction <add>, %integer_pow3A, %reduce_sum3A_20 [0] : vector<16x1024xf32> to vector<1024xf32>
    %broadcast_in_dim3A_22 = vector.shape_cast %reduce_sum3A_21 : vector<1024xf32> to vector<1x1024xf32>
    %div3A_23 = arith.constant 1.600000e+01 : f32
    %div3A_24 = vector.broadcast %div3A_23 : f32 to vector<1x1024xf32>
    %div3A_25 = arith.divf %broadcast_in_dim3A_22, %div3A_24 : vector<1x1024xf32>
    %sub3A_26 = vector.broadcast %div3A_17 : vector<1x1024xf32> to vector<16x1024xf32>
    %sub3A_27 = arith.subf %add3A_13, %sub3A_26 : vector<16x1024xf32>
    %add3A_28 = arith.constant 9.99999974E-6 : f32
    %add3A_29 = vector.broadcast %add3A_28 : f32 to vector<1x1024xf32>
    %add3A_30 = arith.addf %div3A_25, %add3A_29 : vector<1x1024xf32>
    %sqrt3A = math.sqrt %add3A_30 : vector<1x1024xf32>
    %div3A_31 = vector.broadcast %sqrt3A : vector<1x1024xf32> to vector<16x1024xf32>
    %div3A_32 = arith.divf %sub3A_27, %div3A_31 : vector<16x1024xf32>
    %get3A_33 = arith.constant 0 : index
    %get3A_34 = arith.constant 0 : index
    %get3A_35 = vector.load %arg12[%get3A_33, %get3A_34] : memref<1x1024xf32, #tpu.memory_space<vmem>>, vector<1x1024xf32>
    %mul3A = vector.broadcast %get3A_35 : vector<1x1024xf32> to vector<16x1024xf32>
    %mul3A_36 = arith.mulf %div3A_32, %mul3A : vector<16x1024xf32>
    %get3A_37 = arith.constant 0 : index
    %get3A_38 = arith.constant 0 : index
    %get3A_39 = vector.load %arg17[%get3A_37, %get3A_38] : memref<1x1024xf32, #tpu.memory_space<vmem>>, vector<1x1024xf32>
    %add3A_40 = vector.broadcast %get3A_39 : vector<1x1024xf32> to vector<16x1024xf32>
    %add3A_41 = arith.addf %mul3A_36, %add3A_40 : vector<16x1024xf32>
    %max3A = arith.constant 0.000000e+00 : f32
    %max3A_42 = vector.broadcast %max3A : f32 to vector<16x1024xf32>
    %max3A_43 = arith.maximumf %add3A_41, %max3A_42 : vector<16x1024xf32>
    %get3A_44 = arith.constant 0 : index
    %get3A_45 = arith.constant 0 : index
    %get3A_46 = vector.load %arg1[%get3A_44, %get3A_45] : memref<1024x1024xf32, #tpu.memory_space<vmem>>, vector<1024x1024xf32>
    %dot_general3A_47 = arith.constant dense<0.000000e+00> : vector<16x1024xf32>
    %dot_general3A_48 = tpu.matmul %max3A_43, %get3A_46, %dot_general3A_47 {dimension_numbers = #tpu.dot_dimension_numbers<[1], [1], [0], [0], [0, 0, 1, 0], [], []>, transpose_lhs_hint = false} : vector<16x1024xf32>, vector<1024x1024xf32>, vector<16x1024xf32> -> vector<16x1024xf32>
    %get3A_49 = arith.constant 0 : index
    %get3A_50 = arith.constant 0 : index
    %get3A_51 = vector.load %arg7[%get3A_49, %get3A_50] : memref<1x1024xf32, #tpu.memory_space<vmem>>, vector<1x1024xf32>
    %add3A_52 = vector.broadcast %get3A_51 : vector<1x1024xf32> to vector<16x1024xf32>
    %add3A_53 = arith.addf %dot_general3A_48, %add3A_52 : vector<16x1024xf32>
    %reduce_sum3A_54 = arith.constant dense<0.000000e+00> : vector<1024xf32>
    %reduce_sum3A_55 = vector.multi_reduction <add>, %add3A_53, %reduce_sum3A_54 [0] : vector<16x1024xf32> to vector<1024xf32>
    %broadcast_in_dim3A_56 = vector.shape_cast %reduce_sum3A_55 : vector<1024xf32> to vector<1x1024xf32>
    %div3A_57 = arith.constant 1.600000e+01 : f32
    %div3A_58 = vector.broadcast %div3A_57 : f32 to vector<1x1024xf32>
    %div3A_59 = arith.divf %broadcast_in_dim3A_56, %div3A_58 : vector<1x1024xf32>
    %sub3A_60 = vector.broadcast %div3A_59 : vector<1x1024xf32> to vector<16x1024xf32>
    %sub3A_61 = arith.subf %add3A_53, %sub3A_60 : vector<16x1024xf32>
    %integer_pow3A_62 = arith.mulf %sub3A_61, %sub3A_61 : vector<16x1024xf32>
    %reduce_sum3A_63 = arith.constant dense<0.000000e+00> : vector<1024xf32>
    %reduce_sum3A_64 = vector.multi_reduction <add>, %integer_pow3A_62, %reduce_sum3A_63 [0] : vector<16x1024xf32> to vector<1024xf32>
    %broadcast_in_dim3A_65 = vector.shape_cast %reduce_sum3A_64 : vector<1024xf32> to vector<1x1024xf32>
    %div3A_66 = arith.constant 1.600000e+01 : f32
    %div3A_67 = vector.broadcast %div3A_66 : f32 to vector<1x1024xf32>
    %div3A_68 = arith.divf %broadcast_in_dim3A_65, %div3A_67 : vector<1x1024xf32>
    %sub3A_69 = vector.broadcast %div3A_59 : vector<1x1024xf32> to vector<16x1024xf32>
    %sub3A_70 = arith.subf %add3A_53, %sub3A_69 : vector<16x1024xf32>
    %add3A_71 = arith.constant 9.99999974E-6 : f32
    %add3A_72 = vector.broadcast %add3A_71 : f32 to vector<1x1024xf32>
    %add3A_73 = arith.addf %div3A_68, %add3A_72 : vector<1x1024xf32>
    %sqrt3A_74 = math.sqrt %add3A_73 : vector<1x1024xf32>
    %div3A_75 = vector.broadcast %sqrt3A_74 : vector<1x1024xf32> to vector<16x1024xf32>
    %div3A_76 = arith.divf %sub3A_70, %div3A_75 : vector<16x1024xf32>
    %get3A_77 = arith.constant 0 : index
    %get3A_78 = arith.constant 0 : index
    %get3A_79 = vector.load %arg13[%get3A_77, %get3A_78] : memref<1x1024xf32, #tpu.memory_space<vmem>>, vector<1x1024xf32>
    %mul3A_80 = vector.broadcast %get3A_79 : vector<1x1024xf32> to vector<16x1024xf32>
    %mul3A_81 = arith.mulf %div3A_76, %mul3A_80 : vector<16x1024xf32>
    %get3A_82 = arith.constant 0 : index
    %get3A_83 = arith.constant 0 : index
    %get3A_84 = vector.load %arg18[%get3A_82, %get3A_83] : memref<1x1024xf32, #tpu.memory_space<vmem>>, vector<1x1024xf32>
    %add3A_85 = vector.broadcast %get3A_84 : vector<1x1024xf32> to vector<16x1024xf32>
    %add3A_86 = arith.addf %mul3A_81, %add3A_85 : vector<16x1024xf32>
    %max3A_87 = arith.constant 0.000000e+00 : f32
    %max3A_88 = vector.broadcast %max3A_87 : f32 to vector<16x1024xf32>
    %max3A_89 = arith.maximumf %add3A_86, %max3A_88 : vector<16x1024xf32>
    %get3A_90 = arith.constant 0 : index
    %get3A_91 = arith.constant 0 : index
    %get3A_92 = vector.load %arg2[%get3A_90, %get3A_91] : memref<1024x1024xf32, #tpu.memory_space<vmem>>, vector<1024x1024xf32>
    %dot_general3A_93 = arith.constant dense<0.000000e+00> : vector<16x1024xf32>
    %dot_general3A_94 = tpu.matmul %max3A_89, %get3A_92, %dot_general3A_93 {dimension_numbers = #tpu.dot_dimension_numbers<[1], [1], [0], [0], [0, 0, 1, 0], [], []>, transpose_lhs_hint = false} : vector<16x1024xf32>, vector<1024x1024xf32>, vector<16x1024xf32> -> vector<16x1024xf32>
    %get3A_95 = arith.constant 0 : index
    %get3A_96 = arith.constant 0 : index
    %get3A_97 = vector.load %arg8[%get3A_95, %get3A_96] : memref<1x1024xf32, #tpu.memory_space<vmem>>, vector<1x1024xf32>
    %add3A_98 = vector.broadcast %get3A_97 : vector<1x1024xf32> to vector<16x1024xf32>
    %add3A_99 = arith.addf %dot_general3A_94, %add3A_98 : vector<16x1024xf32>
    %reduce_sum3A_100 = arith.constant dense<0.000000e+00> : vector<1024xf32>
    %reduce_sum3A_101 = vector.multi_reduction <add>, %add3A_99, %reduce_sum3A_100 [0] : vector<16x1024xf32> to vector<1024xf32>
    %broadcast_in_dim3A_102 = vector.shape_cast %reduce_sum3A_101 : vector<1024xf32> to vector<1x1024xf32>
    %div3A_103 = arith.constant 1.600000e+01 : f32
    %div3A_104 = vector.broadcast %div3A_103 : f32 to vector<1x1024xf32>
    %div3A_105 = arith.divf %broadcast_in_dim3A_102, %div3A_104 : vector<1x1024xf32>
    %sub3A_106 = vector.broadcast %div3A_105 : vector<1x1024xf32> to vector<16x1024xf32>
    %sub3A_107 = arith.subf %add3A_99, %sub3A_106 : vector<16x1024xf32>
    %integer_pow3A_108 = arith.mulf %sub3A_107, %sub3A_107 : vector<16x1024xf32>
    %reduce_sum3A_109 = arith.constant dense<0.000000e+00> : vector<1024xf32>
    %reduce_sum3A_110 = vector.multi_reduction <add>, %integer_pow3A_108, %reduce_sum3A_109 [0] : vector<16x1024xf32> to vector<1024xf32>
    %broadcast_in_dim3A_111 = vector.shape_cast %reduce_sum3A_110 : vector<1024xf32> to vector<1x1024xf32>
    %div3A_112 = arith.constant 1.600000e+01 : f32
    %div3A_113 = vector.broadcast %div3A_112 : f32 to vector<1x1024xf32>
    %div3A_114 = arith.divf %broadcast_in_dim3A_111, %div3A_113 : vector<1x1024xf32>
    %sub3A_115 = vector.broadcast %div3A_105 : vector<1x1024xf32> to vector<16x1024xf32>
    %sub3A_116 = arith.subf %add3A_99, %sub3A_115 : vector<16x1024xf32>
    %add3A_117 = arith.constant 9.99999974E-6 : f32
    %add3A_118 = vector.broadcast %add3A_117 : f32 to vector<1x1024xf32>
    %add3A_119 = arith.addf %div3A_114, %add3A_118 : vector<1x1024xf32>
    %sqrt3A_120 = math.sqrt %add3A_119 : vector<1x1024xf32>
    %div3A_121 = vector.broadcast %sqrt3A_120 : vector<1x1024xf32> to vector<16x1024xf32>
    %div3A_122 = arith.divf %sub3A_116, %div3A_121 : vector<16x1024xf32>
    %get3A_123 = arith.constant 0 : index
    %get3A_124 = arith.constant 0 : index
    %get3A_125 = vector.load %arg14[%get3A_123, %get3A_124] : memref<1x1024xf32, #tpu.memory_space<vmem>>, vector<1x1024xf32>
    %mul3A_126 = vector.broadcast %get3A_125 : vector<1x1024xf32> to vector<16x1024xf32>
    %mul3A_127 = arith.mulf %div3A_122, %mul3A_126 : vector<16x1024xf32>
    %get3A_128 = arith.constant 0 : index
    %get3A_129 = arith.constant 0 : index
    %get3A_130 = vector.load %arg19[%get3A_128, %get3A_129] : memref<1x1024xf32, #tpu.memory_space<vmem>>, vector<1x1024xf32>
    %add3A_131 = vector.broadcast %get3A_130 : vector<1x1024xf32> to vector<16x1024xf32>
    %add3A_132 = arith.addf %mul3A_127, %add3A_131 : vector<16x1024xf32>
    %max3A_133 = arith.constant 0.000000e+00 : f32
    %max3A_134 = vector.broadcast %max3A_133 : f32 to vector<16x1024xf32>
    %max3A_135 = arith.maximumf %add3A_132, %max3A_134 : vector<16x1024xf32>
    %get3A_136 = arith.constant 0 : index
    %get3A_137 = arith.constant 0 : index
    %get3A_138 = vector.load %arg3[%get3A_136, %get3A_137] : memref<1024x1024xf32, #tpu.memory_space<vmem>>, vector<1024x1024xf32>
    %dot_general3A_139 = arith.constant dense<0.000000e+00> : vector<16x1024xf32>
    %dot_general3A_140 = tpu.matmul %max3A_135, %get3A_138, %dot_general3A_139 {dimension_numbers = #tpu.dot_dimension_numbers<[1], [1], [0], [0], [0, 0, 1, 0], [], []>, transpose_lhs_hint = false} : vector<16x1024xf32>, vector<1024x1024xf32>, vector<16x1024xf32> -> vector<16x1024xf32>
    %get3A_141 = arith.constant 0 : index
    %get3A_142 = arith.constant 0 : index
    %get3A_143 = vector.load %arg9[%get3A_141, %get3A_142] : memref<1x1024xf32, #tpu.memory_space<vmem>>, vector<1x1024xf32>
    %add3A_144 = vector.broadcast %get3A_143 : vector<1x1024xf32> to vector<16x1024xf32>
    %add3A_145 = arith.addf %dot_general3A_140, %add3A_144 : vector<16x1024xf32>
    %reduce_sum3A_146 = arith.constant dense<0.000000e+00> : vector<1024xf32>
    %reduce_sum3A_147 = vector.multi_reduction <add>, %add3A_145, %reduce_sum3A_146 [0] : vector<16x1024xf32> to vector<1024xf32>
    %broadcast_in_dim3A_148 = vector.shape_cast %reduce_sum3A_147 : vector<1024xf32> to vector<1x1024xf32>
    %div3A_149 = arith.constant 1.600000e+01 : f32
    %div3A_150 = vector.broadcast %div3A_149 : f32 to vector<1x1024xf32>
    %div3A_151 = arith.divf %broadcast_in_dim3A_148, %div3A_150 : vector<1x1024xf32>
    %sub3A_152 = vector.broadcast %div3A_151 : vector<1x1024xf32> to vector<16x1024xf32>
    %sub3A_153 = arith.subf %add3A_145, %sub3A_152 : vector<16x1024xf32>
    %integer_pow3A_154 = arith.mulf %sub3A_153, %sub3A_153 : vector<16x1024xf32>
    %reduce_sum3A_155 = arith.constant dense<0.000000e+00> : vector<1024xf32>
    %reduce_sum3A_156 = vector.multi_reduction <add>, %integer_pow3A_154, %reduce_sum3A_155 [0] : vector<16x1024xf32> to vector<1024xf32>
    %broadcast_in_dim3A_157 = vector.shape_cast %reduce_sum3A_156 : vector<1024xf32> to vector<1x1024xf32>
    %div3A_158 = arith.constant 1.600000e+01 : f32
    %div3A_159 = vector.broadcast %div3A_158 : f32 to vector<1x1024xf32>
    %div3A_160 = arith.divf %broadcast_in_dim3A_157, %div3A_159 : vector<1x1024xf32>
    %sub3A_161 = vector.broadcast %div3A_151 : vector<1x1024xf32> to vector<16x1024xf32>
    %sub3A_162 = arith.subf %add3A_145, %sub3A_161 : vector<16x1024xf32>
    %add3A_163 = arith.constant 9.99999974E-6 : f32
    %add3A_164 = vector.broadcast %add3A_163 : f32 to vector<1x1024xf32>
    %add3A_165 = arith.addf %div3A_160, %add3A_164 : vector<1x1024xf32>
    %sqrt3A_166 = math.sqrt %add3A_165 : vector<1x1024xf32>
    %div3A_167 = vector.broadcast %sqrt3A_166 : vector<1x1024xf32> to vector<16x1024xf32>
    %div3A_168 = arith.divf %sub3A_162, %div3A_167 : vector<16x1024xf32>
    %get3A_169 = arith.constant 0 : index
    %get3A_170 = arith.constant 0 : index
    %get3A_171 = vector.load %arg15[%get3A_169, %get3A_170] : memref<1x1024xf32, #tpu.memory_space<vmem>>, vector<1x1024xf32>
    %mul3A_172 = vector.broadcast %get3A_171 : vector<1x1024xf32> to vector<16x1024xf32>
    %mul3A_173 = arith.mulf %div3A_168, %mul3A_172 : vector<16x1024xf32>
    %get3A_174 = arith.constant 0 : index
    %get3A_175 = arith.constant 0 : index
    %get3A_176 = vector.load %arg20[%get3A_174, %get3A_175] : memref<1x1024xf32, #tpu.memory_space<vmem>>, vector<1x1024xf32>
    %add3A_177 = vector.broadcast %get3A_176 : vector<1x1024xf32> to vector<16x1024xf32>
    %add3A_178 = arith.addf %mul3A_173, %add3A_177 : vector<16x1024xf32>
    %max3A_179 = arith.constant 0.000000e+00 : f32
    %max3A_180 = vector.broadcast %max3A_179 : f32 to vector<16x1024xf32>
    %max3A_181 = arith.maximumf %add3A_178, %max3A_180 : vector<16x1024xf32>
    %get3A_182 = arith.constant 0 : index
    %get3A_183 = arith.constant 0 : index
    %get3A_184 = vector.load %arg4[%get3A_182, %get3A_183] : memref<1024x1024xf32, #tpu.memory_space<vmem>>, vector<1024x1024xf32>
    %dot_general3A_185 = arith.constant dense<0.000000e+00> : vector<16x1024xf32>
    %dot_general3A_186 = tpu.matmul %max3A_181, %get3A_184, %dot_general3A_185 {dimension_numbers = #tpu.dot_dimension_numbers<[1], [1], [0], [0], [0, 0, 1, 0], [], []>, transpose_lhs_hint = false} : vector<16x1024xf32>, vector<1024x1024xf32>, vector<16x1024xf32> -> vector<16x1024xf32>
    %get3A_187 = arith.constant 0 : index
    %get3A_188 = arith.constant 0 : index
    %get3A_189 = vector.load %arg10[%get3A_187, %get3A_188] : memref<1x1024xf32, #tpu.memory_space<vmem>>, vector<1x1024xf32>
    %add3A_190 = vector.broadcast %get3A_189 : vector<1x1024xf32> to vector<16x1024xf32>
    %add3A_191 = arith.addf %dot_general3A_186, %add3A_190 : vector<16x1024xf32>
    %reduce_sum3A_192 = arith.constant dense<0.000000e+00> : vector<1024xf32>
    %reduce_sum3A_193 = vector.multi_reduction <add>, %add3A_191, %reduce_sum3A_192 [0] : vector<16x1024xf32> to vector<1024xf32>
    %broadcast_in_dim3A_194 = vector.shape_cast %reduce_sum3A_193 : vector<1024xf32> to vector<1x1024xf32>
    %div3A_195 = arith.constant 1.600000e+01 : f32
    %div3A_196 = vector.broadcast %div3A_195 : f32 to vector<1x1024xf32>
    %div3A_197 = arith.divf %broadcast_in_dim3A_194, %div3A_196 : vector<1x1024xf32>
    %sub3A_198 = vector.broadcast %div3A_197 : vector<1x1024xf32> to vector<16x1024xf32>
    %sub3A_199 = arith.subf %add3A_191, %sub3A_198 : vector<16x1024xf32>
    %integer_pow3A_200 = arith.mulf %sub3A_199, %sub3A_199 : vector<16x1024xf32>
    %reduce_sum3A_201 = arith.constant dense<0.000000e+00> : vector<1024xf32>
    %reduce_sum3A_202 = vector.multi_reduction <add>, %integer_pow3A_200, %reduce_sum3A_201 [0] : vector<16x1024xf32> to vector<1024xf32>
    %broadcast_in_dim3A_203 = vector.shape_cast %reduce_sum3A_202 : vector<1024xf32> to vector<1x1024xf32>
    %div3A_204 = arith.constant 1.600000e+01 : f32
    %div3A_205 = vector.broadcast %div3A_204 : f32 to vector<1x1024xf32>
    %div3A_206 = arith.divf %broadcast_in_dim3A_203, %div3A_205 : vector<1x1024xf32>
    %sub3A_207 = vector.broadcast %div3A_197 : vector<1x1024xf32> to vector<16x1024xf32>
    %sub3A_208 = arith.subf %add3A_191, %sub3A_207 : vector<16x1024xf32>
    %add3A_209 = arith.constant 9.99999974E-6 : f32
    %add3A_210 = vector.broadcast %add3A_209 : f32 to vector<1x1024xf32>
    %add3A_211 = arith.addf %div3A_206, %add3A_210 : vector<1x1024xf32>
    %sqrt3A_212 = math.sqrt %add3A_211 : vector<1x1024xf32>
    %div3A_213 = vector.broadcast %sqrt3A_212 : vector<1x1024xf32> to vector<16x1024xf32>
    %div3A_214 = arith.divf %sub3A_208, %div3A_213 : vector<16x1024xf32>
    %get3A_215 = arith.constant 0 : index
    %get3A_216 = arith.constant 0 : index
    %get3A_217 = vector.load %arg16[%get3A_215, %get3A_216] : memref<1x1024xf32, #tpu.memory_space<vmem>>, vector<1x1024xf32>
    %mul3A_218 = vector.broadcast %get3A_217 : vector<1x1024xf32> to vector<16x1024xf32>
    %mul3A_219 = arith.mulf %div3A_214, %mul3A_218 : vector<16x1024xf32>
    %get3A_220 = arith.constant 0 : index
    %get3A_221 = arith.constant 0 : index
    %get3A_222 = vector.load %arg21[%get3A_220, %get3A_221] : memref<1x1024xf32, #tpu.memory_space<vmem>>, vector<1x1024xf32>
    %add3A_223 = vector.broadcast %get3A_222 : vector<1x1024xf32> to vector<16x1024xf32>
    %add3A_224 = arith.addf %mul3A_219, %add3A_223 : vector<16x1024xf32>
    %max3A_225 = arith.constant 0.000000e+00 : f32
    %max3A_226 = vector.broadcast %max3A_225 : f32 to vector<16x1024xf32>
    %max3A_227 = arith.maximumf %add3A_224, %max3A_226 : vector<16x1024xf32>
    %get3A_228 = arith.constant 0 : index
    %get3A_229 = arith.constant 0 : index
    %get3A_230 = vector.load %arg5[%get3A_228, %get3A_229] : memref<64x1024xf32, #tpu.memory_space<vmem>>, vector<64x1024xf32>
    %dot_general3A_231 = arith.constant dense<0.000000e+00> : vector<16x64xf32>
    %dot_general3A_232 = tpu.matmul %max3A_227, %get3A_230, %dot_general3A_231 {dimension_numbers = #tpu.dot_dimension_numbers<[1], [1], [0], [0], [0, 0, 1, 0], [], []>, transpose_lhs_hint = false} : vector<16x1024xf32>, vector<64x1024xf32>, vector<16x64xf32> -> vector<16x64xf32>
    %get3A_233 = arith.constant 0 : index
    %get3A_234 = arith.constant 0 : index
    %get3A_235 = vector.load %arg11[%get3A_233, %get3A_234] : memref<1x64xf32, #tpu.memory_space<vmem>>, vector<1x64xf32>
    %add3A_236 = vector.broadcast %get3A_235 : vector<1x64xf32> to vector<16x64xf32>
    %add3A_237 = arith.addf %dot_general3A_232, %add3A_236 : vector<16x64xf32>
    %mul3A_238 = arith.mulf %add3A_237, %add3A_237 : vector<16x64xf32>
    %reduce_sum3A_239 = arith.constant dense<0.000000e+00> : vector<16xf32>
    %reduce_sum3A_240 = vector.multi_reduction <add>, %mul3A_238, %reduce_sum3A_239 [1] : vector<16x64xf32> to vector<16xf32>
    %broadcast_in_dim3A_241 = vector.shape_cast %reduce_sum3A_240 : vector<16xf32> to vector<16x1xf32>
    %sqrt3A_242 = math.sqrt %broadcast_in_dim3A_241 : vector<16x1xf32>
    %add3A_243 = arith.constant 9.99999997E-7 : f32
    %add3A_244 = vector.broadcast %add3A_243 : f32 to vector<16x1xf32>
    %add3A_245 = arith.addf %sqrt3A_242, %add3A_244 : vector<16x1xf32>
    %div3A_246 = vector.broadcast %add3A_245 : vector<16x1xf32> to vector<16x64xf32>
    %div3A_247 = arith.divf %add3A_237, %div3A_246 : vector<16x64xf32>
    %get3A_248 = arith.constant 0 : index
    %get3A_249 = arith.constant 0 : index
    %get3A_250 = vector.load %arg22[%get3A_248, %get3A_249] : memref<768x64xf32, #tpu.memory_space<vmem>>, vector<768x64xf32>
    %dot_general3A_251 = arith.constant dense<0.000000e+00> : vector<16x768xf32>
    %dot_general3A_252 = tpu.matmul %div3A_247, %get3A_250, %dot_general3A_251 {dimension_numbers = #tpu.dot_dimension_numbers<[1], [1], [0], [0], [0, 0, 1, 0], [], []>, transpose_lhs_hint = false} : vector<16x64xf32>, vector<768x64xf32>, vector<16x768xf32> -> vector<16x768xf32>
    %get3A_253 = arith.constant 0 : index
    %get3A_254 = arith.constant 0 : index
    %get3A_255 = vector.load %arg23[%get3A_253, %get3A_254] : memref<1x768xf32, #tpu.memory_space<vmem>>, vector<1x768xf32>
    %add3A_256 = vector.broadcast %get3A_255 : vector<1x768xf32> to vector<16x768xf32>
    %add3A_257 = arith.addf %dot_general3A_252, %add3A_256 : vector<16x768xf32>
    %dot_general3A_258 = arith.constant dense<0.000000e+00> : vector<16x16xf32>
    %dot_general3A_259 = tpu.matmul %div3A_247, %div3A_247, %dot_general3A_258 {dimension_numbers = #tpu.dot_dimension_numbers<[1], [1], [0], [0], [0, 0, 1, 0], [], []>, transpose_lhs_hint = false} : vector<16x64xf32>, vector<16x64xf32>, vector<16x16xf32> -> vector<16x16xf32>
    %iota3A_260 = tpu.iota {dimensions = array<i32: 0>} : vector<16x16xi32>
    %iota3A_261 = tpu.iota {dimensions = array<i32: 1>} : vector<16x16xi32>
    %eq3A = arith.cmpi eq, %iota3A_260, %iota3A_261 : vector<16x16xi32>
    %jit3A_262 = arith.constant -1.000000e+00 : f32
    %broadcast_in_dim3A_263 = vector.broadcast %jit3A_262 : f32 to vector<16x16xf32>
    %select_n3A_264 = arith.select %eq3A, %broadcast_in_dim3A_263, %dot_general3A_259 : vector<16x16xi1>, vector<16x16xf32>
    %reduce_max3A = arith.constant dense<0xFF800000> : vector<16xf32>
    %reduce_max3A_265 = vector.multi_reduction <maximumf>, %select_n3A_264, %reduce_max3A [1] : vector<16x16xf32> to vector<16xf32>
    %reduce_sum3A_266 = vector.shape_cast %reduce_max3A_265 : vector<16xf32> to vector<1x16xf32>
    %reduce_sum3A_267 = arith.constant dense<0.000000e+00> : vector<1xf32>
    %reduce_sum3A_268 = vector.multi_reduction <add>, %reduce_sum3A_266, %reduce_sum3A_267 [1] : vector<1x16xf32> to vector<1xf32>
    %reduce_sum3A_269 = vector.shape_cast %reduce_sum3A_268 : vector<1xf32> to vector<1x1xf32>
    %reduce_sum3A_270 = vector.extract %reduce_sum3A_269[0, 0] : f32 from vector<1x1xf32>
    %div3A_271 = arith.constant 1.600000e+01 : f32
    %div3A_272 = arith.divf %reduce_sum3A_270, %div3A_271 : f32
    %reshape3A = vector.broadcast %div3A_272 : f32 to vector<1x1xf32>
    %swap3A = arith.constant 0 : index
    %swap3A_273 = arith.constant 0 : index
    %swap3A_274 = vector.load %arg26[%swap3A, %swap3A_273] : memref<1x1xf32, #tpu.memory_space<vmem>>, vector<1x1xf32>
    tpu.vector_store %arg26[%swap3A, %swap3A_273], %reshape3A {strides = array<i32>} : memref<1x1xf32, #tpu.memory_space<vmem>>, vector<1x1xf32>,
    %swap3A_275 = arith.constant 0 : index
    %swap3A_276 = arith.constant 0 : index
    %swap3A_277 = vector.load %arg24[%swap3A_275, %swap3A_276] : memref<16x64xf32, #tpu.memory_space<vmem>>, vector<16x64xf32>
    tpu.vector_store %arg24[%swap3A_275, %swap3A_276], %div3A_247 {strides = array<i32>} : memref<16x64xf32, #tpu.memory_space<vmem>>, vector<16x64xf32>,
    %swap3A_278 = arith.constant 0 : index
    %swap3A_279 = arith.constant 0 : index
    %swap3A_280 = vector.load %arg25[%swap3A_278, %swap3A_279] : memref<16x768xf32, #tpu.memory_space<vmem>>, vector<16x768xf32>
    tpu.vector_store %arg25[%swap3A_278, %swap3A_279], %add3A_257 {strides = array<i32>} : memref<16x768xf32, #tpu.memory_space<vmem>>, vector<16x768xf32>,
    return
  }
}

module attributes {stable_mosaic.version = 14 : i64} {
  func.func @_token_body(%arg0: i32, %arg1: memref<512x768xf32, #tpu.memory_space<vmem>>, %arg2: memref<64x768xf32, #tpu.memory_space<vmem>>, %arg3: memref<1x64xf32, #tpu.memory_space<vmem>>, %arg4: memref<1360x64xf32, #tpu.memory_space<vmem>>, %arg5: memref<512x1024xf32, #tpu.memory_space<vmem>>, %arg6: memref<512x256xf32, #tpu.memory_space<vmem>>, %arg7: memref<512x64xf32, #tpu.memory_space<vmem>>, %arg8: memref<512x16xf32, #tpu.memory_space<vmem>>, %arg9: memref<512x1xf32, #tpu.memory_space<vmem>>, %arg10: memref<512x1xi32, #tpu.memory_space<vmem>>, %arg11: memref<512x1xi32, #tpu.memory_space<vmem>>) attributes {dimension_semantics = [#tpu.dimension_semantics<arbitrary>], iteration_bounds = array<i64: 16>, scalar_prefetch = 0 : i64, scratch_operands = 0 : i64, tpu.core_type = #tpu.core_type<tc>, window_params = [{transform_indices = @transform_0, window_bounds = array<i64: 512, 768>}, {pipeline_mode = #tpu.pipeline_mode<synchronous>, transform_indices = @transform_1, window_bounds = array<i64: 64, 768>}, {pipeline_mode = #tpu.pipeline_mode<synchronous>, transform_indices = @transform_2, window_bounds = array<i64: 1, 64>}, {pipeline_mode = #tpu.pipeline_mode<synchronous>, transform_indices = @transform_3, window_bounds = array<i64: 1360, 64>}, {transform_indices = @transform_4, window_bounds = array<i64: 512, 1024>}, {transform_indices = @transform_5, window_bounds = array<i64: 512, 256>}, {transform_indices = @transform_6, window_bounds = array<i64: 512, 64>}, {transform_indices = @transform_7, window_bounds = array<i64: 512, 16>}, {transform_indices = @transform_8, window_bounds = array<i64: 512, 1>}, {transform_indices = @transform_9, window_bounds = array<i64: 512, 1>}, {transform_indices = @transform_10, window_bounds = array<i64: 512, 1>}]} {
    %get3A = arith.constant 0 : index
    %get3A_0 = arith.constant 0 : index
    %get3A_1 = vector.load %arg1[%get3A, %get3A_0] : memref<512x768xf32, #tpu.memory_space<vmem>>, vector<512x768xf32>
    %get3A_2 = arith.constant 0 : index
    %get3A_3 = arith.constant 0 : index
    %get3A_4 = vector.load %arg2[%get3A_2, %get3A_3] : memref<64x768xf32, #tpu.memory_space<vmem>>, vector<64x768xf32>
    %dot_general3A = arith.constant dense<0.000000e+00> : vector<512x64xf32>
    %dot_general3A_5 = tpu.matmul %get3A_1, %get3A_4, %dot_general3A {dimension_numbers = #tpu.dot_dimension_numbers<[1], [1], [0], [0], [0, 0, 1, 0], [], []>, transpose_lhs_hint = false} : vector<512x768xf32>, vector<64x768xf32>, vector<512x64xf32> -> vector<512x64xf32>
    %get3A_6 = arith.constant 0 : index
    %get3A_7 = arith.constant 0 : index
    %get3A_8 = vector.load %arg3[%get3A_6, %get3A_7] : memref<1x64xf32, #tpu.memory_space<vmem>>, vector<1x64xf32>
    %add3A = vector.broadcast %get3A_8 : vector<1x64xf32> to vector<512x64xf32>
    %add3A_9 = arith.addf %dot_general3A_5, %add3A : vector<512x64xf32>
    %mul3A = arith.mulf %add3A_9, %add3A_9 : vector<512x64xf32>
    %reduce_sum3A = arith.constant dense<0.000000e+00> : vector<512xf32>
    %reduce_sum3A_10 = vector.multi_reduction <add>, %mul3A, %reduce_sum3A [1] : vector<512x64xf32> to vector<512xf32>
    %broadcast_in_dim3A = vector.shape_cast %reduce_sum3A_10 : vector<512xf32> to vector<512x1xf32>
    %sqrt3A = math.sqrt %broadcast_in_dim3A : vector<512x1xf32>
    %add3A_11 = arith.constant 9.99999997E-7 : f32
    %add3A_12 = vector.broadcast %add3A_11 : f32 to vector<512x1xf32>
    %add3A_13 = arith.addf %sqrt3A, %add3A_12 : vector<512x1xf32>
    %div3A = vector.broadcast %add3A_13 : vector<512x1xf32> to vector<512x64xf32>
    %div3A_14 = arith.divf %add3A_9, %div3A : vector<512x64xf32>
    %get3A_15 = arith.constant 0 : index
    %get3A_16 = arith.constant 0 : index
    %get3A_17 = vector.load %arg4[%get3A_15, %get3A_16] : memref<1360x64xf32, #tpu.memory_space<vmem>>, vector<1360x64xf32>
    %dot_general3A_18 = arith.constant dense<0.000000e+00> : vector<512x1360xf32>
    %dot_general3A_19 = tpu.matmul %div3A_14, %get3A_17, %dot_general3A_18 {dimension_numbers = #tpu.dot_dimension_numbers<[1], [1], [0], [0], [0, 0, 1, 0], [], []>, transpose_lhs_hint = false} : vector<512x64xf32>, vector<1360x64xf32>, vector<512x1360xf32> -> vector<512x1360xf32>
    %mul3A_20 = arith.constant 2.000000e+00 : f32
    %mul3A_21 = vector.broadcast %mul3A_20 : f32 to vector<512x1360xf32>
    %mul3A_22 = arith.mulf %mul3A_21, %dot_general3A_19 : vector<512x1360xf32>
    %get3A_23 = arith.constant 0 : index
    %get3A_24 = arith.constant 0 : index
    %get3A_25 = vector.load %arg9[%get3A_23, %get3A_24] : memref<512x1xf32, #tpu.memory_space<vmem>>, vector<512x1xf32>
    %slice3A = vector.extract_strided_slice %mul3A_22 {offsets = [0, 1344], sizes = [512, 16], strides = [1, 1]} : vector<512x1360xf32> to vector<512x16xf32>
    %get3A_26 = arith.constant 0 : index
    %get3A_27 = arith.constant 0 : index
    %get3A_28 = vector.load %arg8[%get3A_26, %get3A_27] : memref<512x16xf32, #tpu.memory_space<vmem>>, vector<512x16xf32>
    %reduce_max3A = arith.constant dense<0xFF800000> : vector<512xf32>
    %reduce_max3A_29 = vector.multi_reduction <maximumf>, %slice3A, %reduce_max3A [1] : vector<512x16xf32> to vector<512xf32>
    %broadcast_in_dim3A_30 = vector.shape_cast %reduce_max3A_29 : vector<512xf32> to vector<512x1xf32>
    %sub3A = vector.broadcast %broadcast_in_dim3A_30 : vector<512x1xf32> to vector<512x16xf32>
    %sub3A_31 = arith.subf %slice3A, %sub3A : vector<512x16xf32>
    %exp3A = math.exp %sub3A_31 : vector<512x16xf32>
    %reduce_sum3A_32 = arith.constant dense<0.000000e+00> : vector<512xf32>
    %reduce_sum3A_33 = vector.multi_reduction <add>, %exp3A, %reduce_sum3A_32 [1] : vector<512x16xf32> to vector<512xf32>
    %broadcast_in_dim3A_34 = vector.shape_cast %reduce_sum3A_33 : vector<512xf32> to vector<512x1xf32>
    %div3A_35 = vector.broadcast %broadcast_in_dim3A_34 : vector<512x1xf32> to vector<512x16xf32>
    %div3A_36 = arith.divf %exp3A, %div3A_35 : vector<512x16xf32>
    %log3A = math.log %div3A_36 : vector<512x16xf32>
    %add3A_37 = arith.addf %log3A, %get3A_28 : vector<512x16xf32>
    %reduce_max3A_38 = arith.constant dense<0xFF800000> : vector<512xf32>
    %reduce_max3A_39 = vector.multi_reduction <maximumf>, %add3A_37, %reduce_max3A_38 [1] : vector<512x16xf32> to vector<512xf32>
    %broadcast_in_dim3A_40 = vector.shape_cast %reduce_max3A_39 : vector<512xf32> to vector<512x1xf32>
    %iota3A = tpu.iota {dimensions = array<i32: 1>} : vector<512x16xi32>
    %eq3A = vector.broadcast %broadcast_in_dim3A_40 : vector<512x1xf32> to vector<512x16xf32>
    %eq3A_41 = arith.cmpf oeq, %add3A_37, %eq3A : vector<512x16xf32>
    %jit3A = arith.constant 16 : i32
    %broadcast_in_dim3A_42 = vector.broadcast %jit3A : i32 to vector<512x16xi32>
    %select_n3A = arith.select %eq3A_41, %iota3A, %broadcast_in_dim3A_42 : vector<512x16xi1>, vector<512x16xi32>
    %reduce_min3A = arith.constant dense<2147483647> : vector<512xi32>
    %reduce_min3A_43 = vector.multi_reduction <minsi>, %select_n3A, %reduce_min3A [1] : vector<512x16xi32> to vector<512xi32>
    %broadcast_in_dim3A_44 = vector.shape_cast %reduce_min3A_43 : vector<512xi32> to vector<512x1xi32>
    %slice3A_45 = vector.extract_strided_slice %mul3A_22 {offsets = [0, 1280], sizes = [512, 64], strides = [1, 1]} : vector<512x1360xf32> to vector<512x64xf32>
    %get3A_46 = arith.constant 0 : index
    %get3A_47 = arith.constant 0 : index
    %get3A_48 = vector.load %arg7[%get3A_46, %get3A_47] : memref<512x64xf32, #tpu.memory_space<vmem>>, vector<512x64xf32>
    %reduce_max3A_49 = arith.constant dense<0xFF800000> : vector<512xf32>
    %reduce_max3A_50 = vector.multi_reduction <maximumf>, %slice3A_45, %reduce_max3A_49 [1] : vector<512x64xf32> to vector<512xf32>
    %broadcast_in_dim3A_51 = vector.shape_cast %reduce_max3A_50 : vector<512xf32> to vector<512x1xf32>
    %sub3A_52 = vector.broadcast %broadcast_in_dim3A_51 : vector<512x1xf32> to vector<512x64xf32>
    %sub3A_53 = arith.subf %slice3A_45, %sub3A_52 : vector<512x64xf32>
    %exp3A_54 = math.exp %sub3A_53 : vector<512x64xf32>
    %reduce_sum3A_55 = arith.constant dense<0.000000e+00> : vector<512xf32>
    %reduce_sum3A_56 = vector.multi_reduction <add>, %exp3A_54, %reduce_sum3A_55 [1] : vector<512x64xf32> to vector<512xf32>
    %broadcast_in_dim3A_57 = vector.shape_cast %reduce_sum3A_56 : vector<512xf32> to vector<512x1xf32>
    %div3A_58 = vector.broadcast %broadcast_in_dim3A_57 : vector<512x1xf32> to vector<512x64xf32>
    %div3A_59 = arith.divf %exp3A_54, %div3A_58 : vector<512x64xf32>
    %log3A_60 = math.log %div3A_59 : vector<512x64xf32>
    %add3A_61 = arith.addf %log3A_60, %get3A_48 : vector<512x64xf32>
    %reduce_max3A_62 = arith.constant dense<0xFF800000> : vector<512xf32>
    %reduce_max3A_63 = vector.multi_reduction <maximumf>, %add3A_61, %reduce_max3A_62 [1] : vector<512x64xf32> to vector<512xf32>
    %broadcast_in_dim3A_64 = vector.shape_cast %reduce_max3A_63 : vector<512xf32> to vector<512x1xf32>
    %iota3A_65 = tpu.iota {dimensions = array<i32: 1>} : vector<512x64xi32>
    %eq3A_66 = vector.broadcast %broadcast_in_dim3A_64 : vector<512x1xf32> to vector<512x64xf32>
    %eq3A_67 = arith.cmpf oeq, %add3A_61, %eq3A_66 : vector<512x64xf32>
    %jit3A_68 = arith.constant 64 : i32
    %broadcast_in_dim3A_69 = vector.broadcast %jit3A_68 : i32 to vector<512x64xi32>
    %select_n3A_70 = arith.select %eq3A_67, %iota3A_65, %broadcast_in_dim3A_69 : vector<512x64xi1>, vector<512x64xi32>
    %reduce_min3A_71 = arith.constant dense<2147483647> : vector<512xi32>
    %reduce_min3A_72 = vector.multi_reduction <minsi>, %select_n3A_70, %reduce_min3A_71 [1] : vector<512x64xi32> to vector<512xi32>
    %broadcast_in_dim3A_73 = vector.shape_cast %reduce_min3A_72 : vector<512xi32> to vector<512x1xi32>
    %slice3A_74 = vector.extract_strided_slice %mul3A_22 {offsets = [0, 1024], sizes = [512, 256], strides = [1, 1]} : vector<512x1360xf32> to vector<512x256xf32>
    %get3A_75 = arith.constant 0 : index
    %get3A_76 = arith.constant 0 : index
    %get3A_77 = vector.load %arg6[%get3A_75, %get3A_76] : memref<512x256xf32, #tpu.memory_space<vmem>>, vector<512x256xf32>
    %reduce_max3A_78 = arith.constant dense<0xFF800000> : vector<512xf32>
    %reduce_max3A_79 = vector.multi_reduction <maximumf>, %slice3A_74, %reduce_max3A_78 [1] : vector<512x256xf32> to vector<512xf32>
    %broadcast_in_dim3A_80 = vector.shape_cast %reduce_max3A_79 : vector<512xf32> to vector<512x1xf32>
    %sub3A_81 = vector.broadcast %broadcast_in_dim3A_80 : vector<512x1xf32> to vector<512x256xf32>
    %sub3A_82 = arith.subf %slice3A_74, %sub3A_81 : vector<512x256xf32>
    %exp3A_83 = math.exp %sub3A_82 : vector<512x256xf32>
    %reduce_sum3A_84 = arith.constant dense<0.000000e+00> : vector<512xf32>
    %reduce_sum3A_85 = vector.multi_reduction <add>, %exp3A_83, %reduce_sum3A_84 [1] : vector<512x256xf32> to vector<512xf32>
    %broadcast_in_dim3A_86 = vector.shape_cast %reduce_sum3A_85 : vector<512xf32> to vector<512x1xf32>
    %div3A_87 = vector.broadcast %broadcast_in_dim3A_86 : vector<512x1xf32> to vector<512x256xf32>
    %div3A_88 = arith.divf %exp3A_83, %div3A_87 : vector<512x256xf32>
    %log3A_89 = math.log %div3A_88 : vector<512x256xf32>
    %add3A_90 = arith.addf %log3A_89, %get3A_77 : vector<512x256xf32>
    %reduce_max3A_91 = arith.constant dense<0xFF800000> : vector<512xf32>
    %reduce_max3A_92 = vector.multi_reduction <maximumf>, %add3A_90, %reduce_max3A_91 [1] : vector<512x256xf32> to vector<512xf32>
    %broadcast_in_dim3A_93 = vector.shape_cast %reduce_max3A_92 : vector<512xf32> to vector<512x1xf32>
    %iota3A_94 = tpu.iota {dimensions = array<i32: 1>} : vector<512x256xi32>
    %eq3A_95 = vector.broadcast %broadcast_in_dim3A_93 : vector<512x1xf32> to vector<512x256xf32>
    %eq3A_96 = arith.cmpf oeq, %add3A_90, %eq3A_95 : vector<512x256xf32>
    %jit3A_97 = arith.constant 256 : i32
    %broadcast_in_dim3A_98 = vector.broadcast %jit3A_97 : i32 to vector<512x256xi32>
    %select_n3A_99 = arith.select %eq3A_96, %iota3A_94, %broadcast_in_dim3A_98 : vector<512x256xi1>, vector<512x256xi32>
    %reduce_min3A_100 = arith.constant dense<2147483647> : vector<512xi32>
    %reduce_min3A_101 = vector.multi_reduction <minsi>, %select_n3A_99, %reduce_min3A_100 [1] : vector<512x256xi32> to vector<512xi32>
    %broadcast_in_dim3A_102 = vector.shape_cast %reduce_min3A_101 : vector<512xi32> to vector<512x1xi32>
    %slice3A_103 = vector.extract_strided_slice %mul3A_22 {offsets = [0, 0], sizes = [512, 1024], strides = [1, 1]} : vector<512x1360xf32> to vector<512x1024xf32>
    %get3A_104 = arith.constant 0 : index
    %get3A_105 = arith.constant 0 : index
    %get3A_106 = vector.load %arg5[%get3A_104, %get3A_105] : memref<512x1024xf32, #tpu.memory_space<vmem>>, vector<512x1024xf32>
    %reduce_max3A_107 = arith.constant dense<0xFF800000> : vector<512xf32>
    %reduce_max3A_108 = vector.multi_reduction <maximumf>, %slice3A_103, %reduce_max3A_107 [1] : vector<512x1024xf32> to vector<512xf32>
    %broadcast_in_dim3A_109 = vector.shape_cast %reduce_max3A_108 : vector<512xf32> to vector<512x1xf32>
    %sub3A_110 = vector.broadcast %broadcast_in_dim3A_109 : vector<512x1xf32> to vector<512x1024xf32>
    %sub3A_111 = arith.subf %slice3A_103, %sub3A_110 : vector<512x1024xf32>
    %exp3A_112 = math.exp %sub3A_111 : vector<512x1024xf32>
    %reduce_sum3A_113 = arith.constant dense<0.000000e+00> : vector<512xf32>
    %reduce_sum3A_114 = vector.multi_reduction <add>, %exp3A_112, %reduce_sum3A_113 [1] : vector<512x1024xf32> to vector<512xf32>
    %broadcast_in_dim3A_115 = vector.shape_cast %reduce_sum3A_114 : vector<512xf32> to vector<512x1xf32>
    %div3A_116 = vector.broadcast %broadcast_in_dim3A_115 : vector<512x1xf32> to vector<512x1024xf32>
    %div3A_117 = arith.divf %exp3A_112, %div3A_116 : vector<512x1024xf32>
    %log3A_118 = math.log %div3A_117 : vector<512x1024xf32>
    %add3A_119 = arith.addf %log3A_118, %get3A_106 : vector<512x1024xf32>
    %reduce_max3A_120 = arith.constant dense<0xFF800000> : vector<512xf32>
    %reduce_max3A_121 = vector.multi_reduction <maximumf>, %add3A_119, %reduce_max3A_120 [1] : vector<512x1024xf32> to vector<512xf32>
    %broadcast_in_dim3A_122 = vector.shape_cast %reduce_max3A_121 : vector<512xf32> to vector<512x1xf32>
    %iota3A_123 = tpu.iota {dimensions = array<i32: 1>} : vector<512x1024xi32>
    %eq3A_124 = vector.broadcast %broadcast_in_dim3A_122 : vector<512x1xf32> to vector<512x1024xf32>
    %eq3A_125 = arith.cmpf oeq, %add3A_119, %eq3A_124 : vector<512x1024xf32>
    %jit3A_126 = arith.constant 1024 : i32
    %broadcast_in_dim3A_127 = vector.broadcast %jit3A_126 : i32 to vector<512x1024xi32>
    %select_n3A_128 = arith.select %eq3A_125, %iota3A_123, %broadcast_in_dim3A_127 : vector<512x1024xi1>, vector<512x1024xi32>
    %reduce_min3A_129 = arith.constant dense<2147483647> : vector<512xi32>
    %reduce_min3A_130 = vector.multi_reduction <minsi>, %select_n3A_128, %reduce_min3A_129 [1] : vector<512x1024xi32> to vector<512xi32>
    %broadcast_in_dim3A_131 = vector.shape_cast %reduce_min3A_130 : vector<512xi32> to vector<512x1xi32>
    %broadcast_in_dim3A_132 = arith.constant 1360 : i32
    %broadcast_in_dim3A_133 = vector.broadcast %broadcast_in_dim3A_132 : i32 to vector<512x1xi32>
    %gt3A = arith.constant 0.000000e+00 : f32
    %gt3A_134 = vector.broadcast %gt3A : f32 to vector<512x1xf32>
    %gt3A_135 = arith.cmpf ogt, %get3A_25, %gt3A_134 : vector<512x1xf32>
    %lt3A = arith.constant 2.500000e-01 : f32
    %lt3A_136 = vector.broadcast %lt3A : f32 to vector<512x1xf32>
    %lt3A_137 = arith.cmpf olt, %get3A_25, %lt3A_136 : vector<512x1xf32>
    %and3A = arith.andi %gt3A_135, %lt3A_137 : vector<512x1xi1>
    %add3A_138 = arith.constant 1344 : i32
    %add3A_139 = vector.broadcast %add3A_138 : i32 to vector<512x1xi32>
    %add3A_140 = arith.addi %add3A_139, %broadcast_in_dim3A_44 : vector<512x1xi32>
    %select_n3A_141 = arith.select %and3A, %add3A_140, %broadcast_in_dim3A_133 : vector<512x1xi1>, vector<512x1xi32>
    %gt3A_142 = arith.constant 2.500000e-01 : f32
    %gt3A_143 = vector.broadcast %gt3A_142 : f32 to vector<512x1xf32>
    %gt3A_144 = arith.cmpf ogt, %get3A_25, %gt3A_143 : vector<512x1xf32>
    %lt3A_145 = arith.constant 5.000000e-01 : f32
    %lt3A_146 = vector.broadcast %lt3A_145 : f32 to vector<512x1xf32>
    %lt3A_147 = arith.cmpf olt, %get3A_25, %lt3A_146 : vector<512x1xf32>
    %and3A_148 = arith.andi %gt3A_144, %lt3A_147 : vector<512x1xi1>
    %add3A_149 = arith.constant 1280 : i32
    %add3A_150 = vector.broadcast %add3A_149 : i32 to vector<512x1xi32>
    %add3A_151 = arith.addi %add3A_150, %broadcast_in_dim3A_73 : vector<512x1xi32>
    %select_n3A_152 = arith.select %and3A_148, %add3A_151, %select_n3A_141 : vector<512x1xi1>, vector<512x1xi32>
    %gt3A_153 = arith.constant 5.000000e-01 : f32
    %gt3A_154 = vector.broadcast %gt3A_153 : f32 to vector<512x1xf32>
    %gt3A_155 = arith.cmpf ogt, %get3A_25, %gt3A_154 : vector<512x1xf32>
    %lt3A_156 = arith.constant 7.500000e-01 : f32
    %lt3A_157 = vector.broadcast %lt3A_156 : f32 to vector<512x1xf32>
    %lt3A_158 = arith.cmpf olt, %get3A_25, %lt3A_157 : vector<512x1xf32>
    %and3A_159 = arith.andi %gt3A_155, %lt3A_158 : vector<512x1xi1>
    %add3A_160 = arith.constant 1024 : i32
    %add3A_161 = vector.broadcast %add3A_160 : i32 to vector<512x1xi32>
    %add3A_162 = arith.addi %add3A_161, %broadcast_in_dim3A_102 : vector<512x1xi32>
    %select_n3A_163 = arith.select %and3A_159, %add3A_162, %select_n3A_152 : vector<512x1xi1>, vector<512x1xi32>
    %gt3A_164 = arith.constant 7.500000e-01 : f32
    %gt3A_165 = vector.broadcast %gt3A_164 : f32 to vector<512x1xf32>
    %gt3A_166 = arith.cmpf ogt, %get3A_25, %gt3A_165 : vector<512x1xf32>
    %lt3A_167 = arith.constant 1.000000e+00 : f32
    %lt3A_168 = vector.broadcast %lt3A_167 : f32 to vector<512x1xf32>
    %lt3A_169 = arith.cmpf olt, %get3A_25, %lt3A_168 : vector<512x1xf32>
    %and3A_170 = arith.andi %gt3A_166, %lt3A_169 : vector<512x1xi1>
    %add3A_171 = arith.constant 0 : i32
    %add3A_172 = vector.broadcast %add3A_171 : i32 to vector<512x1xi32>
    %add3A_173 = arith.addi %add3A_172, %broadcast_in_dim3A_131 : vector<512x1xi32>
    %select_n3A_174 = arith.select %and3A_170, %add3A_173, %select_n3A_163 : vector<512x1xi1>, vector<512x1xi32>
    %swap3A = arith.constant 0 : index
    %swap3A_175 = arith.constant 0 : index
    %swap3A_176 = vector.load %arg10[%swap3A, %swap3A_175] : memref<512x1xi32, #tpu.memory_space<vmem>>, vector<512x1xi32>
    tpu.vector_store %arg10[%swap3A, %swap3A_175], %select_n3A_174 {strides = array<i32>} : memref<512x1xi32, #tpu.memory_space<vmem>>, vector<512x1xi32>,
    %swap3A_177 = arith.constant 0 : index
    %swap3A_178 = arith.constant 0 : index
    %swap3A_179 = vector.load %arg11[%swap3A_177, %swap3A_178] : memref<512x1xi32, #tpu.memory_space<vmem>>, vector<512x1xi32>
    tpu.vector_store %arg11[%swap3A_177, %swap3A_178], %broadcast_in_dim3A_131 {strides = array<i32>} : memref<512x1xi32, #tpu.memory_space<vmem>>, vector<512x1xi32>,
    return
  }
  func.func @transform_0(%arg0: i32) -> (i32, i32) {
    %c0_i32 = arith.constant 0 : i32
    %c0_i32_0 = arith.constant 0 : i32
    return %arg0, %c0_i32 : i32, i32
  }
  func.func @transform_1(%arg0: i32) -> (i32, i32) {
    %c0_i32 = arith.constant 0 : i32
    %c0_i32_0 = arith.constant 0 : i32
    %c0_i32_1 = arith.constant 0 : i32
    return %c0_i32, %c0_i32_0 : i32, i32
  }
  func.func @transform_2(%arg0: i32) -> (i32, i32) {
    %c0_i32 = arith.constant 0 : i32
    %c0_i32_0 = arith.constant 0 : i32
    %c0_i32_1 = arith.constant 0 : i32
    return %c0_i32, %c0_i32_0 : i32, i32
  }
  func.func @transform_3(%arg0: i32) -> (i32, i32) {
    %c0_i32 = arith.constant 0 : i32
    %c0_i32_0 = arith.constant 0 : i32
    %c0_i32_1 = arith.constant 0 : i32
    return %c0_i32, %c0_i32_0 : i32, i32
  }
  func.func @transform_4(%arg0: i32) -> (i32, i32) {
    %c0_i32 = arith.constant 0 : i32
    %c0_i32_0 = arith.constant 0 : i32
    return %arg0, %c0_i32 : i32, i32
  }
  func.func @transform_5(%arg0: i32) -> (i32, i32) {
    %c0_i32 = arith.constant 0 : i32
    %c0_i32_0 = arith.constant 0 : i32
    return %arg0, %c0_i32 : i32, i32
  }
  func.func @transform_6(%arg0: i32) -> (i32, i32) {
    %c0_i32 = arith.constant 0 : i32
    %c0_i32_0 = arith.constant 0 : i32
    return %arg0, %c0_i32 : i32, i32
  }
  func.func @transform_7(%arg0: i32) -> (i32, i32) {
    %c0_i32 = arith.constant 0 : i32
    %c0_i32_0 = arith.constant 0 : i32
    return %arg0, %c0_i32 : i32, i32
  }
  func.func @transform_8(%arg0: i32) -> (i32, i32) {
    %c0_i32 = arith.constant 0 : i32
    %c0_i32_0 = arith.constant 0 : i32
    return %arg0, %c0_i32 : i32, i32
  }
  func.func @transform_9(%arg0: i32) -> (i32, i32) {
    %c0_i32 = arith.constant 0 : i32
    %c0_i32_0 = arith.constant 0 : i32
    return %arg0, %c0_i32 : i32, i32
  }
  func.func @transform_10(%arg0: i32) -> (i32, i32) {
    %c0_i32 = arith.constant 0 : i32
    %c0_i32_0 = arith.constant 0 : i32
    return %arg0, %c0_i32 : i32, i32
  }
}

</mosaic_0001>

<sc_bundles>
// kernel: kernel.10.cloned.1.call-start
scs
__scs_entry_jumppad:
0x0: {  	(pc) =	sbr.rel $0x88, $3  }
0x1: {  	(tag) =	ssettag $0x0;
	lr =	simm.s32 $0x1  }
0x2: {  	[smem:$0x3F44] =	sst lr;
	_ =	strace $0xD0000000  }
0x3: {  	_ = 	snop  }
0x4: {  	_ = 	snop  }
0x5: {  	_ = 	snop  }
0x6: {  	_ = 	snop  }
0x7: {  	_ = 	snop  }
__scs_overlays_trampoline_lowered:
0x8: {  	[smem:$0x3F53] =	sst s0  }
0x9: {  	[smem:$0x3F54] =	sst s1  }
0xa: {  	[smem:$0x3F55] =	sst s2  }
0xb: {  	[smem:$0x3F56] =	sst s3  }
0xc: {  	[smem:$0x3F57] =	sst s4  }
0xd: {  	[smem:$0x3F58] =	sst s5  }
0xe: {  	[smem:$0x3F59] =	sst s6  }
0xf: {  	[smem:$0x3F5A] =	sst s7  }
0x10: {  	[smem:$0x3F5B] =	sst s8  }
0x11: {  	[smem:$0x3F5C] =	sst s9;
	s0 =	simm.s32 @!p0 $0x0  }
0x12: {  	s1 =	sld [smem:$0x3F42];
	s0 =	simm.s32 @p0 $0x1  }
0x13: {  	[smem:$0x3F5D] =	sst s0;
	s0 =	simm.s32 @!p1 $0x0  }
0x14: {  	s2 =	sld [smem:$0x3F41];
	s0 =	simm.s32 @p1 $0x1  }
0x15: {  	[smem:$0x3F5E] =	sst s0;
	s0 =	simm.s32 @!p2 $0x0  }
0x16: {  	s3 =	sld [smem:$0x3FDB];
	s0 =	simm.s32 @p2 $0x1  }
0x17: {  	s4 =	simm.s32 $0x1BF5;
	[smem:$0x3F60] =	sst s0  }
0x18: {  	s0 =	sld [smem:$0x3F43];
	_ =	swait.ge [sflag:s4], $0x0  }
0x19: {  	s7 =	sld [smem:$0x3F44]  }
0x1a: {  	s8 =	sadd.s32 $0xFFFFE003, lr  }
0x1b: {  	s9 =	sadd.s32 $0xFFFFFEF7, lr;
	s5 =	simm.s32 $0xFFFFFFFF;
	p2 =	slt.u32 s8, $0xFFFFF086  }
0x1c: {  	p1 =	slt.u32 s9, $0xF7A;
	s5 =	simm.s32 @!p2 $0x0  }
0x1d: {  	s5 =	simm.s32 @p1 $0x1;
	p0 =	seq.s32 s7, s2  }
0x1e: {  	s7 =	smul.u32 @!p0 $0xF7A, s2;
	p2 =	seq.s32 @!p0 s5, $0x0  }
0x1f: {  	s9 =	smul.u32 $0xF7A, s1;
	s8 =	simm.s32 @!p0 $0x1BF5;
	p2 =	por !p2, p0  }
0x20: {  	[sflag:s8] =	ssyncset.s32 @!p0 $0xFFFFF086;
	s6 =	sadd.s32 @!p0 s3, s7;
	s7 =	simm.s32 @!p0 $0x108  }
0x21: {  	s3 =	sadd.s32 s3, s9;
	s6 =	sadd.s32 @!p0 $0x88, s6;
	s7 =	simm.s32 @p2 $0x1082  }
0x22: {  	[simem:s7], [sflag:s8] =	dma.local @!p0 [hbm:s6], $0xF7A  }
0x23: {  	s9 =	sor.u32 $0xD0000000, s2;
	s6 =	simm.s32 $0x108;
	_ =	swait.ge @!p0 [sflag:s8], $0x0  }
0x24: {  	s3 =	sadd.s32 $0x88, s3;
	s6 =	simm.s32 @!p1 $0x1082;
	[sflag:s4] =	ssyncset.s32 $0xFFFFF086  }
0x25: {  	[simem:s6], [sflag:s4] =	dma.local [hbm:s3], $0xF7A  }
0x26: {  	[smem:$0x3F44] =	sst s1;
	(tag) =	ssettag s2;
	_ =	strace s9  }
0x27: {  	s1 =	sld [smem:$0x3F54]  }
0x28: {  	s2 =	sld [smem:$0x3F55]  }
0x29: {  	s4 =	sld [smem:$0x3F57]  }
0x2a: {  	p0 =	seq.s32 s5, $0x0;
	s5 =	sld [smem:$0x3F58]  }
0x2b: {  	s6 =	sld [smem:$0x3F59]  }
0x2c: {  	s7 =	sld [smem:$0x3F5A]  }
0x2d: {  	s3 =	simm.s32 $0x108;
	s8 =	sld [smem:$0x3F5B]  }
0x2e: {  	s3 =	simm.s32 @!p0 $0x1082;
	s9 =	sld [smem:$0x3F5C]  }
0x2f: {  	lr =	sadd.s32 s0, s3;
	s0 =	sld [smem:$0x3F53]  }
0x30: {  	s3 =	sld [smem:$0x3F56]  }
0x31: {  	[smem:$0x3F5F] =	sst s10  }
0x32: {  	s10 =	sld [smem:$0x3F5D];
	_ =	sdelay $0x3  }
0x33: {  	p0 =	seq.s32 s10, $0x1;
	s10 =	sld [smem:$0x3F5F];
	_ =	sdelay $0x3  }
0x34: {  	[smem:$0x3F5F] =	sst s10  }
0x35: {  	s10 =	sld [smem:$0x3F5E];
	_ =	sdelay $0x3  }
0x36: {  	p1 =	seq.s32 s10, $0x1;
	s10 =	sld [smem:$0x3F5F];
	_ =	sdelay $0x3  }
0x37: {  	[smem:$0x3F5F] =	sst s10  }
0x38: {  	s10 =	sld [smem:$0x3F60]  }
0x39: {  	_ = 	snop;
	(pc) =	sbr.ind lr, $3  }
0x3a: {  	_ = 	snop  }
0x3b: {  	_ = 	snop  }
0x3c: {  	p2 =	seq.s32 s10, $0x1;
	s10 =	sld [smem:$0x3F5F]  }
0x3d: {  	_ =	shalt  }
0x3e: {  	_ =	shalt  }
0x3f: {  	_ =	shalt  }
0x40: {  	_ =	shalt  }
0x41: {  	_ =	shalt  }
0x42: {  	_ =	shalt  }
0x43: {  	_ =	shalt  }
0x44: {  	_ =	shalt  }
0x45: {  	_ =	shalt  }
0x46: {  	_ =	shalt  }
0x47: {  	_ =	shalt  }
0x48: {  	_ =	shalt  }
0x49: {  	_ =	shalt  }
0x4a: {  	_ =	shalt  }
0x4b: {  	_ =	shalt  }
0x4c: {  	_ =	shalt  }
0x4d: {  	_ =	shalt  }
0x4e: {  	_ =	shalt  }
0x4f: {  	_ =	shalt  }
0x50: {  	_ =	shalt  }
0x51: {  	_ =	shalt  }
0x52: {  	_ =	shalt  }
0x53: {  	_ =	shalt  }
0x54: {  	_ =	shalt  }
0x55: {  	_ =	shalt  }
0x56: {  	_ =	shalt  }
0x57: {  	_ =	shalt  }
0x58: {  	_ =	shalt  }
0x59: {  	_ =	shalt  }
0x5a: {  	_ =	shalt  }
0x5b: {  	_ =	shalt  }
0x5c: {  	_ =	shalt  }
0x5d: {  	_ =	shalt  }
0x5e: {  	_ =	shalt  }
0x5f: {  	_ =	shalt  }
0x60: {  	_ =	shalt  }
0x61: {  	_ =	shalt  }
0x62: {  	_ =	shalt  }
0x63: {  	_ =	shalt  }
0x64: {  	_ =	shalt  }
0x65: {  	_ =	shalt  }
0x66: {  	_ =	shalt  }
0x67: {  	_ =	shalt  }
0x68: {  	_ =	shalt  }
0x69: {  	_ =	shalt  }
0x6a: {  	_ =	shalt  }
0x6b: {  	_ =	shalt  }
0x6c: {  	_ =	shalt  }
0x6d: {  	_ =	shalt  }
0x6e: {  	_ =	shalt  }
0x6f: {  	_ =	shalt  }
0x70: {  	_ =	shalt  }
0x71: {  	_ =	shalt  }
0x72: {  	_ =	shalt  }
0x73: {  	_ =	shalt  }
0x74: {  	_ =	shalt  }
0x75: {  	_ =	shalt  }
0x76: {  	_ =	shalt  }
0x77: {  	_ =	shalt  }
0x78: {  	_ =	shalt  }
0x79: {  	_ =	shalt  }
0x7a: {  	_ =	shalt  }
0x7b: {  	_ =	shalt  }
0x7c: {  	_ =	shalt  }
0x7d: {  	_ =	shalt  }
0x7e: {  	_ =	shalt  }
0x7f: {  	_ =	shalt  }
0x80: {  	_ =	shalt  }
0x81: {  	_ =	shalt  }
0x82: {  	_ =	shalt  }
0x83: {  	_ =	shalt  }
0x84: {  	_ =	shalt  }
0x85: {  	_ =	shalt  }
0x86: {  	_ =	shalt  }
0x87: {  	_ =	shalt  }
.Lfunc_end0:
.L_simem_size_0:
called_computation_lowered:
.L_overlay_start_0:
0x88: {  	s2 =	sld [smem:$0x3FD9]  }
0x89: {  	s3 =	sld [smem:$0x3FFE];
	_ =	sdelay $0x1  }
0x8a: {  	s1 =	srdreg.scid  }
0x8b: {  	s0 =	sand.u32 $0x1, s1  }
0x8c: {  	s14 =	sshll.u32 s0, $0xA;
	s2 =	sadd.s32 s3, s2  }
0x8d: {  	s2 =	sadd.s32 s2, s14  }
0x8e: {  	[smem:$0x3F6B] =	sst s2  }
0x8f: {  	_ = 	snop  }
0x90: {  	s2 =	sld [smem:$0x3FD0];
	_ =	sdelay $0x2  }
0x91: {  	s15 =	simm.s32 $0xA;
	s4 =	simm.s32 $0x10  }
0x92: {  	[smem:s4], [sflag:s15] =	dma.local [hbm:s2], $0x1  }
0x93: {  	_ =	swait.eq [sflag:s15], $0x1  }
0x94: {  	[sflag:s15] =	ssyncset.done $0x0  }
0x95: {  	[sflag:s15] =	ssyncadd.s32 $0xFFFFFFFF  }
0x96: {  	s16 =	sld [smem:$0x10];
	(tm) =	ssettm $0x1  }
0x97: {  	s17 =	sld [smem:$0x3FFB];
	_ =	sdelay $0x3  }
0x98: {  	_ =	strace s17  }
0x99: {  	s3 =	sld [smem:$0x3FFC];
	_ =	sdelay $0x3  }
0x9a: {  	_ =	strace s3  }
0x9b: {  	s3 =	sld [smem:$0x3FFD];
	_ =	sdelay $0x3  }
0x9c: {  	_ =	strace s3  }
0x9d: {  	_ =	strace $0x8FFFFFFF  }
0x9e: {  	s18 =	sld [smem:$0x3FDB];
	_ =	sdelay $0x1  }
0x9f: {  	s19 =	simm.s32 $_scs_section_size  }
0xa0: {  	s5 =	simm.s32 $_size__tile_overlayer_lowered;
	s6 =	simm.s32 $_tile_overlayer_lowered  }
0xa1: {  	s22 =	simm.s32 $0x1BFF;
	s21 =	sshll.u32 s6, $0x1;
	s3 =	sadd.s32 s19, s18  }
0xa2: {  	s7 =	simm.s32 $0x0;
	s20 =	sshll.u32 s5, $0x1;
	s5 =	sadd.s32 s21, s3  }
0xa3: {  	[timem:s7], [sflag:s22] =	dma.local [hbm:s5], s20  }
0xa4: {  	_ =	swait.ge [sflag:s22], s20  }
0xa5: {  	s4 =	ssub.s32 $0x0, s20;
	[sflag:s22] =	ssyncset.done $0x0  }
0xa6: {  	[sflag:s22] =	ssyncadd.s32 s4;
	_ =	sdelay $0x1  }
0xa7: {  	s23 =	simm.s32 $0x1B8B  }
0xa8: {  	_ =	swait.ge [sflag:s23], $0x1  }
0xa9: {  	[sflag:s23] =	ssyncset.done $0x0  }
0xaa: {  	s25 =	simm.s32 $0x1B8E;
	s24 =	sld [smem:$0x3FFE];
	[sflag:s23] =	ssyncadd.s32 $0xFFFFFFFF  }
0xab: {  	s26 =	simm.s32 $execute0_lowered;
	[smem:$0x3FD2] =	sst s25  }
0xac: {  	s5 =	sshll.u32 s26, $0x1;
	_ =	strace $0x80000046;
	[dreg:$0x1] =	wrdreg $0xFFFFFFFF  }
0xad: {  	s28 =	simm.s32 $_size_execute0_lowered;
	s3 =	sadd.s32 s3, s5;
	[dreg:$0x0] =	wrdreg $0x0  }
0xae: {  	s5 =	sshll.u32 s28, $0x1;
	[dreg:$0x2] =	wrdreg s3  }
0xaf: {  	[dreg:$0x3] =	wrdreg s5  }
0xb0: {  	[dreg:$0x4] =	wrdreg $0xC0  }
0xb1: {  	_ =	task [dreg:s7], $0x5FFFF  }
0xb2: {  	[dreg:$0x1] =	wrdreg $0xFFFFFFFF  }
0xb3: {  	[dreg:$0x0] =	wrdreg $0x60  }
0xb4: {  	[dreg:$0x2] =	wrdreg s24  }
0xb5: {  	[dreg:$0x3] =	wrdreg s16  }
0xb6: {  	[dreg:$0x4] =	wrdreg $0x9  }
0xb7: {  	_ =	task.clear_ibuf [dreg:s7], $0x5FFFF;
	_ =	strace $0x90000046  }
0xb8: {  	s29 =	simm.s32 $0x9;
	_ =	strace $0x80000048  }
0xb9: {  	_ =	swait.ge [sflag:s29], $0x1  }
0xba: {  	[sflag:s29] =	ssyncadd.s32 $0xFFFFFFFF  }
0xbb: {  	_ =	strace $0x90000048  }
0xbc: {  	_ =	sfence  }
0xbd: {  	s30 =	sld [smem:$0x0];
	_ =	sdelay $0x2  }
0xbe: {  	s31 =	sshll.u32 s1, $0xD;
	s1 =	sshrl.u32 s1, $0x2  }
0xbf: {  	s3 =	sand.u32 $0x4000, s31;
	s1 =	sadd.s32 s1, s30  }
0xc0: {  	s0 =	sor.u32 s3, s0;
	s1 =	sshll.u32 s1, $0x11  }
0xc1: {  	s0 =	sor.u32 s1, s0  }
0xc2: {  	s0 =	sadd.s32 $0x8F2B, s0  }
0xc3: {  	[sflag:s0] =	ssyncadd.remote.s32 $0x1  }
0xc4: {  	_ =	sfence.sel $0xFFFF  }
0xc5: {  	[dreg:$0x0] =	wrdreg $0xFFFFFFFF;
	(pc) =	sbr.abs _section_cstart, $3  }
0xc6: {  	[dreg:$0x1] =	wrdreg $0xFFFFFFFF  }
0xc7: {  	_ =	task.clear_ibuf [dreg:s7], $0x2FFFF;
	_ =	strace $0x9FFFFFFF  }
0xc8: {  	(tm) =	ssettm $0x7FFFFFFF  }
0xc9: {  	_ =	shalt  }
tec
execute0_lowered:
.L_overlay_start_1:
0x0: {  	(tag) =	ssettag $0x1  }
0x1: {  	s0 =	rddreg [dreg:$0x0]  }
0x2: {  	s1 =	rddreg [dreg:$0x1]  }
0x3: {  	s2 =	srdreg.scid;
	s3 =	stileid.u32;
	s10 =	simm.s32 $0x900  }
0x4: {  	s11 =	simm.s32 $0x1100;
	s12 =	simm.s32 $0x1900;
	s13 =	simm.s32 $0x2100  }
0x5: {  	s14 =	simm.s32 $0x2900;
	s15 =	simm.s32 $0x3100;
	s16 =	simm.s32 $0x3900  }
0x6: {  	s17 =	simm.s32 $0x4100;
	s18 =	simm.s32 $0x4900;
	s19 =	simm.s32 $0x5100  }
0x7: {  	s20 =	simm.s32 $0x5900;
	s21 =	simm.s32 $0x6100;
	s22 =	simm.s32 $0x6900  }
0x8: {  	s23 =	simm.s32 $0x7100;
	s24 =	simm.s32 $0x7900;
	s25 =	simm.s32 $0x8100  }
0x9: {  	s28 =	simm.s32 $0x9100;
	s29 =	simm.s32 $0x9900;
	s30 =	simm.s32 $0xA100  }
0xa: {  	s31 =	simm.s32 $0xA900;
	s4 =	sand.u32 $0x1, s2;
	s2 =	simm.s32 $0x0  }
0xb: {  	s3 =	sshll.u32 s3, $0x6;
	s5 =	sshll.u32 s4, $0x5;
	[smem:$0x7FF] =	sst s2  }
0xc: {  	s4 =	ssub.s32 $0x2, s4;
	s5 =	sor.u32 s5, s3;
	_ =	strace $0x80000047  }
0xd: {  	s3 =	sadd.s32 $0xB200, s0;
	s8 =	sshrl.u32 s4, $0x1;
	s6 =	smul.u32 $0x1800, s5  }
0xe: {  	s7 =	sadd.s32 s5, s0;
	s5 =	smul.u32 $0x300, s5;
	s26 =	ssub.s32 s4, s8  }
0xf: {  	s4 =	sadd.s32 $0xB300, s0;
	s8 =	simm.s32 $0xB900;
	s7 =	sadd.s32 $0x2BA00, s7  }
0x10: {  	s6 =	sshrl.u32 s6, $0x3;
	[dreg:$0x3] =	wrdreg s7;
	s5 =	sadd.s32 s1, s5  }
0x11: {  	v2 =	vlaneseq.u32;
	s7 =	simm.s32 $0x2;
	s1 =	sadd.s32 s1, s6;
	[dreg:$0x4] =	wrdreg s5  }
0x12: {  	vm0 =	vmmov $0xffff;
	v1 =	vshrl.u32 v2, $0x3;
	s5 =	sadd.s32 $0xB400, s0;
	s6 =	smax.u32 s26, $0x1;
	s1 =	sadd.s32 $0x3000, s1  }
0x13: {  	v0 =	vand.u32 $0x7, v2;
	v2 =	vor.u32 $0x8, v2;
	v1 =	vmul.u32 $0x8, v1;
	s26 =	simm.s32 $0x8900;
	[dreg:$0x5] =	wrdreg s1;
	s1 =	simm.s32 $0x1  }
.LBB2_1:
0x14: {  	s9 =	rddreg [dreg:$0x3]  }
0x15: {  	[tilespmem:s2], [sflag:$0x2] =	stream.linear.gather [hbm4b:s9+s2], $0x100, $0x38;
	[tilespmem:$0x18100] =	vst v63  }
0x16: {  	_ =	swait.ge [sflag:s7], $0x100  }
0x17: {  	[sflag:s7] =	ssyncset.done $0x0  }
0x18: {  	[sflag:s7] =	ssyncadd.s32 $0xFFFFFF00  }
0x19: {  	v3 =	vld [tilespmem:$0x0];
	_ =	sdelay $0x4  }
0x1a: {  	v4 =	vshrl.u32 v3, $0x3  }
0x1b: {  	v4 =	vmul.u32 $0x30, v4  }
0x1c: {  	v3 =	vand.u32 $0x7, v3  }
0x1d: {  	v3 =	vor.u32 v3, v4  }
0x1e: {  	v4 =	vperm.xlane v3, v0;
	_ =	sdelay $0x1  }
0x1f: {  	v4 =	vadd.s32 v1, v4;
	_ =	sdelay $0x3  }
0x20: {  	s0 =	simm.s32 $0x100;
	v3 =	vperm.xlane v3, v2  }
0x21: {  	[tilespmem:s0], [sflag:$0x1] =	stream.indirect_vreg.gather [hbm4b:s3+s2], $0x80, v4, vm0, $0xb8;
	[tilespmem:$0x18100] =	vst v63  }
0x22: {  	v3 =	vadd.s32 v1, v3  }
0x23: {  	[tilespmem:s10], [sflag:$0x1] =	stream.indirect_vreg.gather [hbm4b:s4+s2], $0x80, v4, vm0, $0xb8;
	[tilespmem:$0x18100] =	vst v63  }
0x24: {  	_ = 	snop  }
0x25: {  	[tilespmem:s11], [sflag:$0x1] =	stream.indirect_vreg.gather [hbm4b:s5+s2], $0x80, v4, vm0, $0xb8;
	[tilespmem:$0x18100] =	vst v63  }
0x26: {  	_ = 	snop  }
0x27: {  	[tilespmem:s12], [sflag:$0x1] =	stream.indirect_vreg.gather [hbm4b:s3+s2], $0x80, v3, vm0, $0xb8;
	[tilespmem:$0x18100] =	vst v63  }
0x28: {  	_ = 	snop  }
0x29: {  	[tilespmem:s13], [sflag:$0x1] =	stream.indirect_vreg.gather [hbm4b:s4+s2], $0x80, v3, vm0, $0xb8;
	[tilespmem:$0x18100] =	vst v63  }
0x2a: {  	_ = 	snop  }
0x2b: {  	[tilespmem:s14], [sflag:$0x1] =	stream.indirect_vreg.gather [hbm4b:s5+s2], $0x80, v3, vm0, $0xb8;
	[tilespmem:$0x18100] =	vst v63  }
0x2c: {  	v3 =	vld [tilespmem:$0x10];
	_ =	sdelay $0x4  }
0x2d: {  	v49 =	vshrl.u32 v3, $0x3  }
0x2e: {  	v4 =	vmul.u32 $0x30, v49  }
0x2f: {  	v3 =	vand.u32 $0x7, v3  }
0x30: {  	v3 =	vor.u32 v3, v4  }
0x31: {  	v4 =	vperm.xlane v3, v0;
	_ =	sdelay $0x1  }
0x32: {  	v4 =	vadd.s32 v1, v4;
	_ =	sdelay $0x3  }
0x33: {  	v3 =	vperm.xlane v3, v2  }
0x34: {  	[tilespmem:s15], [sflag:$0x1] =	stream.indirect_vreg.gather [hbm4b:s3+s2], $0x80, v4, vm0, $0xb8;
	[tilespmem:$0x18100] =	vst v63  }
0x35: {  	v3 =	vadd.s32 v1, v3  }
0x36: {  	[tilespmem:s16], [sflag:$0x1] =	stream.indirect_vreg.gather [hbm4b:s4+s2], $0x80, v4, vm0, $0xb8;
	[tilespmem:$0x18100] =	vst v63  }
0x37: {  	_ = 	snop  }
0x38: {  	[tilespmem:s17], [sflag:$0x1] =	stream.indirect_vreg.gather [hbm4b:s5+s2], $0x80, v4, vm0, $0xb8;
	[tilespmem:$0x18100] =	vst v63  }
0x39: {  	_ = 	snop  }
0x3a: {  	[tilespmem:s18], [sflag:$0x1] =	stream.indirect_vreg.gather [hbm4b:s3+s2], $0x80, v3, vm0, $0xb8;
	[tilespmem:$0x18100] =	vst v63  }
0x3b: {  	_ = 	snop  }
0x3c: {  	[tilespmem:s19], [sflag:$0x1] =	stream.indirect_vreg.gather [hbm4b:s4+s2], $0x80, v3, vm0, $0xb8;
	[tilespmem:$0x18100] =	vst v63  }
0x3d: {  	_ = 	snop  }
0x3e: {  	[tilespmem:s20], [sflag:$0x1] =	stream.indirect_vreg.gather [hbm4b:s5+s2], $0x80, v3, vm0, $0xb8;
	[tilespmem:$0x18100] =	vst v63  }
0x3f: {  	v3 =	vld [tilespmem:$0x20];
	_ =	sdelay $0x4  }
0x40: {  	v50 =	vshrl.u32 v3, $0x3  }
0x41: {  	v4 =	vmul.u32 $0x30, v50  }
0x42: {  	v3 =	vand.u32 $0x7, v3  }
0x43: {  	v3 =	vor.u32 v3, v4  }
0x44: {  	v4 =	vperm.xlane v3, v0;
	_ =	sdelay $0x1  }
0x45: {  	v4 =	vadd.s32 v1, v4;
	_ =	sdelay $0x3  }
0x46: {  	v3 =	vperm.xlane v3, v2  }
0x47: {  	[tilespmem:s21], [sflag:$0x1] =	stream.indirect_vreg.gather [hbm4b:s3+s2], $0x80, v4, vm0, $0xb8;
	[tilespmem:$0x18100] =	vst v63  }
0x48: {  	v3 =	vadd.s32 v1, v3  }
0x49: {  	[tilespmem:s22], [sflag:$0x1] =	stream.indirect_vreg.gather [hbm4b:s4+s2], $0x80, v4, vm0, $0xb8;
	[tilespmem:$0x18100] =	vst v63  }
0x4a: {  	_ = 	snop  }
0x4b: {  	[tilespmem:s23], [sflag:$0x1] =	stream.indirect_vreg.gather [hbm4b:s5+s2], $0x80, v4, vm0, $0xb8;
	[tilespmem:$0x18100] =	vst v63  }
0x4c: {  	_ = 	snop  }
0x4d: {  	[tilespmem:s24], [sflag:$0x1] =	stream.indirect_vreg.gather [hbm4b:s3+s2], $0x80, v3, vm0, $0xb8;
	[tilespmem:$0x18100] =	vst v63  }
0x4e: {  	_ = 	snop  }
0x4f: {  	[tilespmem:s25], [sflag:$0x1] =	stream.indirect_vreg.gather [hbm4b:s4+s2], $0x80, v3, vm0, $0xb8;
	[tilespmem:$0x18100] =	vst v63  }
0x50: {  	_ = 	snop  }
0x51: {  	[tilespmem:s26], [sflag:$0x1] =	stream.indirect_vreg.gather [hbm4b:s5+s2], $0x80, v3, vm0, $0xb8;
	[tilespmem:$0x18100] =	vst v63  }
0x52: {  	v3 =	vld [tilespmem:$0x30];
	_ =	sdelay $0x4  }
0x53: {  	v51 =	vshrl.u32 v3, $0x3  }
0x54: {  	v4 =	vmul.u32 $0x30, v51  }
0x55: {  	v3 =	vand.u32 $0x7, v3  }
0x56: {  	v3 =	vor.u32 v3, v4  }
0x57: {  	v4 =	vperm.xlane v3, v0;
	_ =	sdelay $0x1  }
0x58: {  	v4 =	vadd.s32 v1, v4;
	_ =	sdelay $0x3  }
0x59: {  	v3 =	vperm.xlane v3, v2  }
0x5a: {  	[tilespmem:s28], [sflag:$0x1] =	stream.indirect_vreg.gather [hbm4b:s3+s2], $0x80, v4, vm0, $0xb8;
	[tilespmem:$0x18100] =	vst v63  }
0x5b: {  	v3 =	vadd.s32 v1, v3  }
0x5c: {  	[tilespmem:s29], [sflag:$0x1] =	stream.indirect_vreg.gather [hbm4b:s4+s2], $0x80, v4, vm0, $0xb8;
	[tilespmem:$0x18100] =	vst v63  }
0x5d: {  	_ = 	snop  }
0x5e: {  	[tilespmem:s30], [sflag:$0x1] =	stream.indirect_vreg.gather [hbm4b:s5+s2], $0x80, v4, vm0, $0xb8;
	[tilespmem:$0x18100] =	vst v63  }
0x5f: {  	_ = 	snop  }
0x60: {  	[tilespmem:s31], [sflag:$0x1] =	stream.indirect_vreg.gather [hbm4b:s3+s2], $0x80, v3, vm0, $0xb8;
	[tilespmem:$0x18100] =	vst v63  }
0x61: {  	s9 =	simm.s32 $0xB100  }
0x62: {  	[tilespmem:s9], [sflag:$0x1] =	stream.indirect_vreg.gather [hbm4b:s4+s2], $0x80, v3, vm0, $0xb8;
	[tilespmem:$0x18100] =	vst v63  }
0x63: {  	_ = 	snop  }
0x64: {  	[tilespmem:s8], [sflag:$0x1] =	stream.indirect_vreg.gather [hbm4b:s5+s2], $0x80, v3, vm0, $0xb8;
	[tilespmem:$0x18100] =	vst v63  }
0x65: {  	v3 =	vld [tilespmem:$0x40];
	_ =	sdelay $0x4  }
0x66: {  	v52 =	vshrl.u32 v3, $0x3  }
0x67: {  	v4 =	vmul.u32 $0x30, v52  }
0x68: {  	v3 =	vand.u32 $0x7, v3  }
0x69: {  	v3 =	vor.u32 v3, v4  }
0x6a: {  	v4 =	vperm.xlane v3, v0;
	_ =	sdelay $0x1  }
0x6b: {  	v4 =	vadd.s32 v1, v4;
	_ =	sdelay $0x3  }
0x6c: {  	s9 =	simm.s32 $0xC100;
	v3 =	vperm.xlane v3, v2  }
0x6d: {  	[tilespmem:s9], [sflag:$0x1] =	stream.indirect_vreg.gather [hbm4b:s3+s2], $0x80, v4, vm0, $0xb8;
	[tilespmem:$0x18100] =	vst v63  }
0x6e: {  	v3 =	vadd.s32 v1, v3;
	s9 =	simm.s32 $0xC900  }
0x6f: {  	[tilespmem:s9], [sflag:$0x1] =	stream.indirect_vreg.gather [hbm4b:s4+s2], $0x80, v4, vm0, $0xb8;
	[tilespmem:$0x18100] =	vst v63  }
0x70: {  	s9 =	simm.s32 $0xD100  }
0x71: {  	[tilespmem:s9], [sflag:$0x1] =	stream.indirect_vreg.gather [hbm4b:s5+s2], $0x80, v4, vm0, $0xb8;
	[tilespmem:$0x18100] =	vst v63  }
0x72: {  	s9 =	simm.s32 $0xD900  }
0x73: {  	[tilespmem:s9], [sflag:$0x1] =	stream.indirect_vreg.gather [hbm4b:s3+s2], $0x80, v3, vm0, $0xb8;
	[tilespmem:$0x18100] =	vst v63  }
0x74: {  	s9 =	simm.s32 $0xE100  }
0x75: {  	[tilespmem:s9], [sflag:$0x1] =	stream.indirect_vreg.gather [hbm4b:s4+s2], $0x80, v3, vm0, $0xb8;
	[tilespmem:$0x18100] =	vst v63  }
0x76: {  	s9 =	simm.s32 $0xE900  }
0x77: {  	[tilespmem:s9], [sflag:$0x1] =	stream.indirect_vreg.gather [hbm4b:s5+s2], $0x80, v3, vm0, $0xb8;
	[tilespmem:$0x18100] =	vst v63  }
0x78: {  	v3 =	vld [tilespmem:$0x50];
	_ =	sdelay $0x4  }
0x79: {  	v53 =	vshrl.u32 v3, $0x3  }
0x7a: {  	v4 =	vmul.u32 $0x30, v53  }
0x7b: {  	v3 =	vand.u32 $0x7, v3  }
0x7c: {  	v3 =	vor.u32 v3, v4  }
0x7d: {  	v4 =	vperm.xlane v3, v0;
	_ =	sdelay $0x1  }
0x7e: {  	v4 =	vadd.s32 v1, v4;
	_ =	sdelay $0x3  }
0x7f: {  	s9 =	simm.s32 $0xF100;
	v3 =	vperm.xlane v3, v2  }
0x80: {  	[tilespmem:s9], [sflag:$0x1] =	stream.indirect_vreg.gather [hbm4b:s3+s2], $0x80, v4, vm0, $0xb8;
	[tilespmem:$0x18100] =	vst v63  }
0x81: {  	v3 =	vadd.s32 v1, v3;
	s9 =	simm.s32 $0xF900  }
0x82: {  	[tilespmem:s9], [sflag:$0x1] =	stream.indirect_vreg.gather [hbm4b:s4+s2], $0x80, v4, vm0, $0xb8;
	[tilespmem:$0x18100] =	vst v63  }
0x83: {  	s9 =	simm.s32 $0x10100  }
0x84: {  	[tilespmem:s9], [sflag:$0x1] =	stream.indirect_vreg.gather [hbm4b:s5+s2], $0x80, v4, vm0, $0xb8;
	[tilespmem:$0x18100] =	vst v63  }
0x85: {  	s9 =	simm.s32 $0x10900  }
0x86: {  	[tilespmem:s9], [sflag:$0x1] =	stream.indirect_vreg.gather [hbm4b:s3+s2], $0x80, v3, vm0, $0xb8;
	[tilespmem:$0x18100] =	vst v63  }
0x87: {  	s9 =	simm.s32 $0x11100  }
0x88: {  	[tilespmem:s9], [sflag:$0x1] =	stream.indirect_vreg.gather [hbm4b:s4+s2], $0x80, v3, vm0, $0xb8;
	[tilespmem:$0x18100] =	vst v63  }
0x89: {  	s9 =	simm.s32 $0x11900  }
0x8a: {  	[tilespmem:s9], [sflag:$0x1] =	stream.indirect_vreg.gather [hbm4b:s5+s2], $0x80, v3, vm0, $0xb8;
	[tilespmem:$0x18100] =	vst v63  }
0x8b: {  	v3 =	vld [tilespmem:$0x60];
	_ =	sdelay $0x4  }
0x8c: {  	v54 =	vshrl.u32 v3, $0x3  }
0x8d: {  	v4 =	vmul.u32 $0x30, v54  }
0x8e: {  	v3 =	vand.u32 $0x7, v3  }
0x8f: {  	v3 =	vor.u32 v3, v4  }
0x90: {  	v4 =	vperm.xlane v3, v0;
	_ =	sdelay $0x1  }
0x91: {  	v4 =	vadd.s32 v1, v4;
	_ =	sdelay $0x3  }
0x92: {  	s9 =	simm.s32 $0x12100;
	v3 =	vperm.xlane v3, v2  }
0x93: {  	[tilespmem:s9], [sflag:$0x1] =	stream.indirect_vreg.gather [hbm4b:s3+s2], $0x80, v4, vm0, $0xb8;
	[tilespmem:$0x18100] =	vst v63  }
0x94: {  	v3 =	vadd.s32 v1, v3;
	s9 =	simm.s32 $0x12900  }
0x95: {  	[tilespmem:s9], [sflag:$0x1] =	stream.indirect_vreg.gather [hbm4b:s4+s2], $0x80, v4, vm0, $0xb8;
	[tilespmem:$0x18100] =	vst v63  }
0x96: {  	s9 =	simm.s32 $0x13100  }
0x97: {  	[tilespmem:s9], [sflag:$0x1] =	stream.indirect_vreg.gather [hbm4b:s5+s2], $0x80, v4, vm0, $0xb8;
	[tilespmem:$0x18100] =	vst v63  }
0x98: {  	s9 =	simm.s32 $0x13900  }
0x99: {  	[tilespmem:s9], [sflag:$0x1] =	stream.indirect_vreg.gather [hbm4b:s3+s2], $0x80, v3, vm0, $0xb8;
	[tilespmem:$0x18100] =	vst v63  }
0x9a: {  	s9 =	simm.s32 $0x14100  }
0x9b: {  	[tilespmem:s9], [sflag:$0x1] =	stream.indirect_vreg.gather [hbm4b:s4+s2], $0x80, v3, vm0, $0xb8;
	[tilespmem:$0x18100] =	vst v63  }
0x9c: {  	s9 =	simm.s32 $0x14900  }
0x9d: {  	[tilespmem:s9], [sflag:$0x1] =	stream.indirect_vreg.gather [hbm4b:s5+s2], $0x80, v3, vm0, $0xb8;
	[tilespmem:$0x18100] =	vst v63  }
0x9e: {  	v3 =	vld [tilespmem:$0x70];
	_ =	sdelay $0x4  }
0x9f: {  	v55 =	vshrl.u32 v3, $0x3  }
0xa0: {  	v4 =	vmul.u32 $0x30, v55  }
0xa1: {  	v3 =	vand.u32 $0x7, v3  }
0xa2: {  	v3 =	vor.u32 v3, v4  }
0xa3: {  	v4 =	vperm.xlane v3, v0;
	_ =	sdelay $0x1  }
0xa4: {  	v4 =	vadd.s32 v1, v4;
	_ =	sdelay $0x3  }
0xa5: {  	s9 =	simm.s32 $0x15100;
	v3 =	vperm.xlane v3, v2  }
0xa6: {  	[tilespmem:s9], [sflag:$0x1] =	stream.indirect_vreg.gather [hbm4b:s3+s2], $0x80, v4, vm0, $0xb8;
	[tilespmem:$0x18100] =	vst v63  }
0xa7: {  	v3 =	vadd.s32 v1, v3;
	s9 =	simm.s32 $0x15900  }
0xa8: {  	[tilespmem:s9], [sflag:$0x1] =	stream.indirect_vreg.gather [hbm4b:s4+s2], $0x80, v4, vm0, $0xb8;
	[tilespmem:$0x18100] =	vst v63  }
0xa9: {  	s9 =	simm.s32 $0x16100  }
0xaa: {  	[tilespmem:s9], [sflag:$0x1] =	stream.indirect_vreg.gather [hbm4b:s5+s2], $0x80, v4, vm0, $0xb8;
	[tilespmem:$0x18100] =	vst v63  }
0xab: {  	s9 =	simm.s32 $0x16900  }
0xac: {  	[tilespmem:s9], [sflag:$0x1] =	stream.indirect_vreg.gather [hbm4b:s3+s2], $0x80, v3, vm0, $0xb8;
	[tilespmem:$0x18100] =	vst v63  }
0xad: {  	s9 =	simm.s32 $0x17100  }
0xae: {  	[tilespmem:s9], [sflag:$0x1] =	stream.indirect_vreg.gather [hbm4b:s4+s2], $0x80, v3, vm0, $0xb8;
	[tilespmem:$0x18100] =	vst v63  }
0xaf: {  	s9 =	simm.s32 $0x17900  }
0xb0: {  	[tilespmem:s9], [sflag:$0x1] =	stream.indirect_vreg.gather [hbm4b:s5+s2], $0x80, v3, vm0, $0xb8;
	[tilespmem:$0x18100] =	vst v63  }
0xb1: {  	_ =	swait.ge [sflag:s1], $0x18000  }
0xb2: {  	[sflag:s1] =	ssyncset.done $0x0  }
0xb3: {  	s0 =	simm.s32 $0x100;
	s9 =	rddreg [dreg:$0x4];
	[sflag:s1] =	ssyncadd.s32 $0xFFFE8000  }
0xb4: {  	[hbm4b:s9+s2] =	stream.linear.scatter [tilespmem:s0], [sflag:$0x2], $0x18000, $0x38;
	[tilespmem:$0x18100] =	vst v63  }
0xb5: {  	_ =	swait.ge [sflag:s7], $0x18000  }
0xb6: {  	[sflag:s7] =	ssyncset.done $0x0  }
0xb7: {  	[sflag:s7] =	ssyncadd.s32 $0xFFFE8000  }
0xb8: {  	v3 =	vld [tilespmem:$0x80];
	_ =	sdelay $0x4  }
0xb9: {  	v56 =	vshrl.u32 v3, $0x3  }
0xba: {  	v4 =	vmul.u32 $0x30, v56  }
0xbb: {  	v3 =	vand.u32 $0x7, v3  }
0xbc: {  	v3 =	vor.u32 v3, v4  }
0xbd: {  	v4 =	vperm.xlane v3, v0;
	_ =	sdelay $0x1  }
0xbe: {  	v4 =	vadd.s32 v1, v4;
	_ =	sdelay $0x3  }
0xbf: {  	v3 =	vperm.xlane v3, v2  }
0xc0: {  	[tilespmem:s0], [sflag:$0x1] =	stream.indirect_vreg.gather [hbm4b:s3+s2], $0x80, v4, vm0, $0xb8;
	[tilespmem:$0x18100] =	vst v63  }
0xc1: {  	v3 =	vadd.s32 v1, v3  }
0xc2: {  	[tilespmem:s10], [sflag:$0x1] =	stream.indirect_vreg.gather [hbm4b:s4+s2], $0x80, v4, vm0, $0xb8;
	[tilespmem:$0x18100] =	vst v63  }
0xc3: {  	_ = 	snop  }
0xc4: {  	[tilespmem:s11], [sflag:$0x1] =	stream.indirect_vreg.gather [hbm4b:s5+s2], $0x80, v4, vm0, $0xb8;
	[tilespmem:$0x18100] =	vst v63  }
0xc5: {  	_ = 	snop  }
0xc6: {  	[tilespmem:s12], [sflag:$0x1] =	stream.indirect_vreg.gather [hbm4b:s3+s2], $0x80, v3, vm0, $0xb8;
	[tilespmem:$0x18100] =	vst v63  }
0xc7: {  	_ = 	snop  }
0xc8: {  	[tilespmem:s13], [sflag:$0x1] =	stream.indirect_vreg.gather [hbm4b:s4+s2], $0x80, v3, vm0, $0xb8;
	[tilespmem:$0x18100] =	vst v63  }
0xc9: {  	_ = 	snop  }
0xca: {  	[tilespmem:s14], [sflag:$0x1] =	stream.indirect_vreg.gather [hbm4b:s5+s2], $0x80, v3, vm0, $0xb8;
	[tilespmem:$0x18100] =	vst v63  }
0xcb: {  	v3 =	vld [tilespmem:$0x90];
	_ =	sdelay $0x4  }
0xcc: {  	v57 =	vshrl.u32 v3, $0x3  }
0xcd: {  	v4 =	vmul.u32 $0x30, v57  }
0xce: {  	v3 =	vand.u32 $0x7, v3  }
0xcf: {  	v3 =	vor.u32 v3, v4  }
0xd0: {  	v4 =	vperm.xlane v3, v0;
	_ =	sdelay $0x1  }
0xd1: {  	v4 =	vadd.s32 v1, v4;
	_ =	sdelay $0x3  }
0xd2: {  	v3 =	vperm.xlane v3, v2  }
0xd3: {  	[tilespmem:s15], [sflag:$0x1] =	stream.indirect_vreg.gather [hbm4b:s3+s2], $0x80, v4, vm0, $0xb8;
	[tilespmem:$0x18100] =	vst v63  }
0xd4: {  	v3 =	vadd.s32 v1, v3  }
0xd5: {  	[tilespmem:s16], [sflag:$0x1] =	stream.indirect_vreg.gather [hbm4b:s4+s2], $0x80, v4, vm0, $0xb8;
	[tilespmem:$0x18100] =	vst v63  }
0xd6: {  	_ = 	snop  }
0xd7: {  	[tilespmem:s17], [sflag:$0x1] =	stream.indirect_vreg.gather [hbm4b:s5+s2], $0x80, v4, vm0, $0xb8;
	[tilespmem:$0x18100] =	vst v63  }
0xd8: {  	_ = 	snop  }
0xd9: {  	[tilespmem:s18], [sflag:$0x1] =	stream.indirect_vreg.gather [hbm4b:s3+s2], $0x80, v3, vm0, $0xb8;
	[tilespmem:$0x18100] =	vst v63  }
0xda: {  	_ = 	snop  }
0xdb: {  	[tilespmem:s19], [sflag:$0x1] =	stream.indirect_vreg.gather [hbm4b:s4+s2], $0x80, v3, vm0, $0xb8;
	[tilespmem:$0x18100] =	vst v63  }
0xdc: {  	_ = 	snop  }
0xdd: {  	[tilespmem:s20], [sflag:$0x1] =	stream.indirect_vreg.gather [hbm4b:s5+s2], $0x80, v3, vm0, $0xb8;
	[tilespmem:$0x18100] =	vst v63  }
0xde: {  	v3 =	vld [tilespmem:$0xA0];
	_ =	sdelay $0x4  }
0xdf: {  	v58 =	vshrl.u32 v3, $0x3  }
0xe0: {  	v4 =	vmul.u32 $0x30, v58  }
0xe1: {  	v3 =	vand.u32 $0x7, v3  }
0xe2: {  	v3 =	vor.u32 v3, v4  }
0xe3: {  	v4 =	vperm.xlane v3, v0;
	_ =	sdelay $0x1  }
0xe4: {  	v4 =	vadd.s32 v1, v4;
	_ =	sdelay $0x3  }
0xe5: {  	v3 =	vperm.xlane v3, v2  }
0xe6: {  	[tilespmem:s21], [sflag:$0x1] =	stream.indirect_vreg.gather [hbm4b:s3+s2], $0x80, v4, vm0, $0xb8;
	[tilespmem:$0x18100] =	vst v63  }
0xe7: {  	v3 =	vadd.s32 v1, v3  }
0xe8: {  	[tilespmem:s22], [sflag:$0x1] =	stream.indirect_vreg.gather [hbm4b:s4+s2], $0x80, v4, vm0, $0xb8;
	[tilespmem:$0x18100] =	vst v63  }
0xe9: {  	_ = 	snop  }
0xea: {  	[tilespmem:s23], [sflag:$0x1] =	stream.indirect_vreg.gather [hbm4b:s5+s2], $0x80, v4, vm0, $0xb8;
	[tilespmem:$0x18100] =	vst v63  }
0xeb: {  	_ = 	snop  }
0xec: {  	[tilespmem:s24], [sflag:$0x1] =	stream.indirect_vreg.gather [hbm4b:s3+s2], $0x80, v3, vm0, $0xb8;
	[tilespmem:$0x18100] =	vst v63  }
0xed: {  	_ = 	snop  }
0xee: {  	[tilespmem:s25], [sflag:$0x1] =	stream.indirect_vreg.gather [hbm4b:s4+s2], $0x80, v3, vm0, $0xb8;
	[tilespmem:$0x18100] =	vst v63  }
0xef: {  	_ = 	snop  }
0xf0: {  	[tilespmem:s26], [sflag:$0x1] =	stream.indirect_vreg.gather [hbm4b:s5+s2], $0x80, v3, vm0, $0xb8;
	[tilespmem:$0x18100] =	vst v63  }
0xf1: {  	v3 =	vld [tilespmem:$0xB0];
	_ =	sdelay $0x4  }
0xf2: {  	v59 =	vshrl.u32 v3, $0x3  }
0xf3: {  	v4 =	vmul.u32 $0x30, v59  }
0xf4: {  	v3 =	vand.u32 $0x7, v3  }
0xf5: {  	v3 =	vor.u32 v3, v4  }
0xf6: {  	v4 =	vperm.xlane v3, v0;
	_ =	sdelay $0x1  }
0xf7: {  	v4 =	vadd.s32 v1, v4;
	_ =	sdelay $0x3  }
0xf8: {  	v3 =	vperm.xlane v3, v2  }
0xf9: {  	[tilespmem:s28], [sflag:$0x1] =	stream.indirect_vreg.gather [hbm4b:s3+s2], $0x80, v4, vm0, $0xb8;
	[tilespmem:$0x18100] =	vst v63  }
0xfa: {  	v3 =	vadd.s32 v1, v3  }
0xfb: {  	[tilespmem:s29], [sflag:$0x1] =	stream.indirect_vreg.gather [hbm4b:s4+s2], $0x80, v4, vm0, $0xb8;
	[tilespmem:$0x18100] =	vst v63  }
0xfc: {  	_ = 	snop  }
0xfd: {  	[tilespmem:s30], [sflag:$0x1] =	stream.indirect_vreg.gather [hbm4b:s5+s2], $0x80, v4, vm0, $0xb8;
	[tilespmem:$0x18100] =	vst v63  }
0xfe: {  	_ = 	snop  }
0xff: {  	[tilespmem:s31], [sflag:$0x1] =	stream.indirect_vreg.gather [hbm4b:s3+s2], $0x80, v3, vm0, $0xb8;
	[tilespmem:$0x18100] =	vst v63  }
0x100: {  	s9 =	simm.s32 $0xB100  }
0x101: {  	[tilespmem:s9], [sflag:$0x1] =	stream.indirect_vreg.gather [hbm4b:s4+s2], $0x80, v3, vm0, $0xb8;
	[tilespmem:$0x18100] =	vst v63  }
0x102: {  	_ = 	snop  }
0x103: {  	[tilespmem:s8], [sflag:$0x1] =	stream.indirect_vreg.gather [hbm4b:s5+s2], $0x80, v3, vm0, $0xb8;
	[tilespmem:$0x18100] =	vst v63  }
0x104: {  	v3 =	vld [tilespmem:$0xC0];
	_ =	sdelay $0x4  }
0x105: {  	v60 =	vshrl.u32 v3, $0x3  }
0x106: {  	v4 =	vmul.u32 $0x30, v60  }
0x107: {  	v3 =	vand.u32 $0x7, v3  }
0x108: {  	v3 =	vor.u32 v3, v4  }
0x109: {  	v4 =	vperm.xlane v3, v0;
	_ =	sdelay $0x1  }
0x10a: {  	v4 =	vadd.s32 v1, v4;
	_ =	sdelay $0x3  }
0x10b: {  	s9 =	simm.s32 $0xC100;
	v3 =	vperm.xlane v3, v2  }
0x10c: {  	[tilespmem:s9], [sflag:$0x1] =	stream.indirect_vreg.gather [hbm4b:s3+s2], $0x80, v4, vm0, $0xb8;
	[tilespmem:$0x18100] =	vst v63  }
0x10d: {  	v3 =	vadd.s32 v1, v3;
	s9 =	simm.s32 $0xC900  }
0x10e: {  	[tilespmem:s9], [sflag:$0x1] =	stream.indirect_vreg.gather [hbm4b:s4+s2], $0x80, v4, vm0, $0xb8;
	[tilespmem:$0x18100] =	vst v63  }
0x10f: {  	s9 =	simm.s32 $0xD100  }
0x110: {  	[tilespmem:s9], [sflag:$0x1] =	stream.indirect_vreg.gather [hbm4b:s5+s2], $0x80, v4, vm0, $0xb8;
	[tilespmem:$0x18100] =	vst v63  }
0x111: {  	s9 =	simm.s32 $0xD900  }
0x112: {  	[tilespmem:s9], [sflag:$0x1] =	stream.indirect_vreg.gather [hbm4b:s3+s2], $0x80, v3, vm0, $0xb8;
	[tilespmem:$0x18100] =	vst v63  }
0x113: {  	s9 =	simm.s32 $0xE100  }
0x114: {  	[tilespmem:s9], [sflag:$0x1] =	stream.indirect_vreg.gather [hbm4b:s4+s2], $0x80, v3, vm0, $0xb8;
	[tilespmem:$0x18100] =	vst v63  }
0x115: {  	s9 =	simm.s32 $0xE900  }
0x116: {  	[tilespmem:s9], [sflag:$0x1] =	stream.indirect_vreg.gather [hbm4b:s5+s2], $0x80, v3, vm0, $0xb8;
	[tilespmem:$0x18100] =	vst v63  }
0x117: {  	v3 =	vld [tilespmem:$0xD0];
	_ =	sdelay $0x4  }
0x118: {  	v61 =	vshrl.u32 v3, $0x3  }
0x119: {  	v4 =	vmul.u32 $0x30, v61  }
0x11a: {  	v3 =	vand.u32 $0x7, v3  }
0x11b: {  	v3 =	vor.u32 v3, v4  }
0x11c: {  	v4 =	vperm.xlane v3, v0;
	_ =	sdelay $0x1  }
0x11d: {  	v4 =	vadd.s32 v1, v4;
	_ =	sdelay $0x3  }
0x11e: {  	s9 =	simm.s32 $0xF100;
	v3 =	vperm.xlane v3, v2  }
0x11f: {  	[tilespmem:s9], [sflag:$0x1] =	stream.indirect_vreg.gather [hbm4b:s3+s2], $0x80, v4, vm0, $0xb8;
	[tilespmem:$0x18100] =	vst v63  }
0x120: {  	v3 =	vadd.s32 v1, v3;
	s9 =	simm.s32 $0xF900  }
0x121: {  	[tilespmem:s9], [sflag:$0x1] =	stream.indirect_vreg.gather [hbm4b:s4+s2], $0x80, v4, vm0, $0xb8;
	[tilespmem:$0x18100] =	vst v63  }
0x122: {  	s9 =	simm.s32 $0x10100  }
0x123: {  	[tilespmem:s9], [sflag:$0x1] =	stream.indirect_vreg.gather [hbm4b:s5+s2], $0x80, v4, vm0, $0xb8;
	[tilespmem:$0x18100] =	vst v63  }
0x124: {  	s9 =	simm.s32 $0x10900  }
0x125: {  	[tilespmem:s9], [sflag:$0x1] =	stream.indirect_vreg.gather [hbm4b:s3+s2], $0x80, v3, vm0, $0xb8;
	[tilespmem:$0x18100] =	vst v63  }
0x126: {  	s9 =	simm.s32 $0x11100  }
0x127: {  	[tilespmem:s9], [sflag:$0x1] =	stream.indirect_vreg.gather [hbm4b:s4+s2], $0x80, v3, vm0, $0xb8;
	[tilespmem:$0x18100] =	vst v63  }
0x128: {  	s9 =	simm.s32 $0x11900  }
0x129: {  	[tilespmem:s9], [sflag:$0x1] =	stream.indirect_vreg.gather [hbm4b:s5+s2], $0x80, v3, vm0, $0xb8;
	[tilespmem:$0x18100] =	vst v63  }
0x12a: {  	v3 =	vld [tilespmem:$0xE0];
	_ =	sdelay $0x4  }
0x12b: {  	v62 =	vshrl.u32 v3, $0x3  }
0x12c: {  	v4 =	vmul.u32 $0x30, v62  }
0x12d: {  	v3 =	vand.u32 $0x7, v3  }
0x12e: {  	v3 =	vor.u32 v3, v4  }
0x12f: {  	v4 =	vperm.xlane v3, v0;
	_ =	sdelay $0x1  }
0x130: {  	v4 =	vadd.s32 v1, v4;
	_ =	sdelay $0x3  }
0x131: {  	s9 =	simm.s32 $0x12100;
	v3 =	vperm.xlane v3, v2  }
0x132: {  	[tilespmem:s9], [sflag:$0x1] =	stream.indirect_vreg.gather [hbm4b:s3+s2], $0x80, v4, vm0, $0xb8;
	[tilespmem:$0x18100] =	vst v63  }
0x133: {  	v3 =	vadd.s32 v1, v3;
	s9 =	simm.s32 $0x12900  }
0x134: {  	[tilespmem:s9], [sflag:$0x1] =	stream.indirect_vreg.gather [hbm4b:s4+s2], $0x80, v4, vm0, $0xb8;
	[tilespmem:$0x18100] =	vst v63  }
0x135: {  	s9 =	simm.s32 $0x13100  }
0x136: {  	[tilespmem:s9], [sflag:$0x1] =	stream.indirect_vreg.gather [hbm4b:s5+s2], $0x80, v4, vm0, $0xb8;
	[tilespmem:$0x18100] =	vst v63  }
0x137: {  	s9 =	simm.s32 $0x13900  }
0x138: {  	[tilespmem:s9], [sflag:$0x1] =	stream.indirect_vreg.gather [hbm4b:s3+s2], $0x80, v3, vm0, $0xb8;
	[tilespmem:$0x18100] =	vst v63  }
0x139: {  	s9 =	simm.s32 $0x14100  }
0x13a: {  	[tilespmem:s9], [sflag:$0x1] =	stream.indirect_vreg.gather [hbm4b:s4+s2], $0x80, v3, vm0, $0xb8;
	[tilespmem:$0x18100] =	vst v63  }
0x13b: {  	s9 =	simm.s32 $0x14900  }
0x13c: {  	[tilespmem:s9], [sflag:$0x1] =	stream.indirect_vreg.gather [hbm4b:s5+s2], $0x80, v3, vm0, $0xb8;
	[tilespmem:$0x18100] =	vst v63  }
0x13d: {  	v3 =	vld [tilespmem:$0xF0];
	_ =	sdelay $0x4  }
0x13e: {  	v63 =	vshrl.u32 v3, $0x3  }
0x13f: {  	v4 =	vmul.u32 $0x30, v63  }
0x140: {  	v3 =	vand.u32 $0x7, v3  }
0x141: {  	v3 =	vor.u32 v3, v4  }
0x142: {  	v4 =	vperm.xlane v3, v0;
	_ =	sdelay $0x1  }
0x143: {  	v4 =	vadd.s32 v1, v4;
	_ =	sdelay $0x3  }
0x144: {  	s9 =	simm.s32 $0x15100;
	v3 =	vperm.xlane v3, v2  }
0x145: {  	[tilespmem:s9], [sflag:$0x1] =	stream.indirect_vreg.gather [hbm4b:s3+s2], $0x80, v4, vm0, $0xb8;
	[tilespmem:$0x18100] =	vst v63  }
0x146: {  	v3 =	vadd.s32 v1, v3;
	s9 =	simm.s32 $0x15900  }
0x147: {  	[tilespmem:s9], [sflag:$0x1] =	stream.indirect_vreg.gather [hbm4b:s4+s2], $0x80, v4, vm0, $0xb8;
	[tilespmem:$0x18100] =	vst v63  }
0x148: {  	s9 =	simm.s32 $0x16100  }
0x149: {  	[tilespmem:s9], [sflag:$0x1] =	stream.indirect_vreg.gather [hbm4b:s5+s2], $0x80, v4, vm0, $0xb8;
	[tilespmem:$0x18100] =	vst v63  }
0x14a: {  	s9 =	simm.s32 $0x16900  }
0x14b: {  	[tilespmem:s9], [sflag:$0x1] =	stream.indirect_vreg.gather [hbm4b:s3+s2], $0x80, v3, vm0, $0xb8;
	[tilespmem:$0x18100] =	vst v63  }
0x14c: {  	s9 =	simm.s32 $0x17100  }
0x14d: {  	[tilespmem:s9], [sflag:$0x1] =	stream.indirect_vreg.gather [hbm4b:s4+s2], $0x80, v3, vm0, $0xb8;
	[tilespmem:$0x18100] =	vst v63  }
0x14e: {  	s9 =	simm.s32 $0x17900  }
0x14f: {  	[tilespmem:s9], [sflag:$0x1] =	stream.indirect_vreg.gather [hbm4b:s5+s2], $0x80, v3, vm0, $0xb8;
	[tilespmem:$0x18100] =	vst v63  }
0x150: {  	_ =	swait.ge [sflag:s1], $0x18000  }
0x151: {  	p0 =	sne.s32 s6, $0x1;
	s0 =	simm.s32 $0x100;
	[sflag:s1] =	ssyncset.done $0x0  }
.Ltmp0:
0x152: {  	s9 =	rddreg [dreg:$0x5];
	[sflag:s1] =	ssyncadd.s32 $0xFFFE8000;
	(pc) =	sbr.rel @p0 .LBB2_1-.Ltmp0, $4  }
0x153: {  	[hbm4b:s9+s2] =	stream.linear.scatter [tilespmem:s0], [sflag:$0x2], $0x18000, $0x38;
	[tilespmem:$0x18100] =	vst v63  }
0x154: {  	_ =	swait.ge [sflag:s7], $0x18000  }
0x155: {  	[sflag:s7] =	ssyncset.done $0x0  }
0x156: {  	s6 =	sadd.s32 $0xFFFFFFFF, s6;
	[sflag:s7] =	ssyncadd.s32 $0xFFFE8000  }
0x157: {  	_ =	sfence.sel $0x180000  }
0x158: {  	[bflag:$0x0] =	sbarrier.arrive $0xFFFF  }
0x159: {  	_ =	strace $0x90000047  }
0x15a: {  	s0 =	stileid.u32;
	[bflag:$0x2] =	sbarrier.arrive $0xFFFF  }
0x15b: {  	p0 =	sne.s32 s0, $0x0;
	s0 =	rddreg [dreg:$0x2]  }
0x15c: {  	s0 =	sadd.s32 @!p0 $0x100000, s0  }
0x15d: {  	[sflag:s0] =	ssyncadd.tile.s32 @!p0 $0x1;
	_ =	shalt  }
.Lfunc_end2:
_tile_overlayer_lowered:
.L_overlay_start_2:
0x15e: {  	(tag) =	ssettag $0x2  }
0x15f: {  	s0 =	rddreg [dreg:$0x0];
	s2 =	stileid.u32  }
0x160: {  	s1 =	rddreg [dreg:$0x1];
	p0 =	sne.s32 s2, $0x0  }
0x161: {  	s3 =	rddreg [dreg:$0x2];
	[bflag:$0x3] =	sbarrier.arrive $0xFFFF;
	s2 =	simm.s32 @!p0 $0x1C02  }
0x162: {  	[timem:s3], [sflag:s2] =	dma.local @!p0 [hbm:s0], s1  }
0x163: {  	s0 =	simm.s32 @!p0 $0x2  }
0x164: {  	_ =	swait.ge @!p0 [sflag:s0], s1  }
0x165: {  	s1 =	ssub.s32 @!p0 $0x0, s1;
	[sflag:s0] =	ssyncset.done @!p0 $0x0  }
0x166: {  	[sflag:s0] =	ssyncadd.s32 @!p0 s1  }
0x167: {  	[bflag:$0x3] =	sbarrier.arrive $0xFFFF  }
0x168: {  	_ =	shalt  }

</sc_bundles>
